<compile_context>
chip_gen: v7x
topology: tpu7x:2x2x1
jax: 0.10.2.dev20260603
libtpu: 0.0.44.dev20260713+nightly
codegen_flags: <defaults>
</compile_context>

<pallas_src>
import jax
import jax.numpy as jnp
from jax import lax
from jax.experimental import pallas as pl
from jax.experimental.pallas import tpu as pltpu
from jax.experimental.pallas import tpu_sc as plsc

N = 10000
D = 128
E = 320000
NC, NS = 2, 16
NW = NC * NS
EPW = E // NW
K = 40
NCHUNK = EPW // K
NP = 10240
RPT = NP // NS
BLK = 1024
NBANK = 4
LAG = 2

_mesh = plsc.VectorSubcoreMesh(
    core_axis_name="c", subcore_axis_name="s", num_cores=NC, num_subcores=NS
)



def _hist_body(dst_hbm, out_hbm, dstv, degv):
    c = lax.axis_index("c")
    s = lax.axis_index("s")
    wid = c * NS + s
    pltpu.sync_copy(dst_hbm.at[wid], dstv)
    zeros16 = jnp.zeros((16,), jnp.float32)

    def zero(i, carry):
        degv[pl.ds(i * 16, 16)] = zeros16
        return carry

    lax.fori_loop(0, NP // 16, zero, 0)
    ones16 = jnp.ones((16,), jnp.float32)

    def add(i, carry):
        idx = dstv[pl.ds(i * 16, 16)]
        plsc.addupdate_scatter(degv, [idx], ones16)
        return carry

    lax.fori_loop(0, EPW // 16, add, 0)
    pltpu.sync_copy(degv, out_hbm.at[wid])


_hist = pl.kernel(
    _hist_body,
    out_type=jax.ShapeDtypeStruct((NW, NP), jnp.float32),
    mesh=_mesh,
    compiler_params=pltpu.CompilerParams(needs_layout_passes=False),
    scratch_types=[
        pltpu.VMEM((EPW,), jnp.int32),
        pltpu.VMEM((NP,), jnp.float32),
    ],
)



def _agg_body(hp_hbm, src_hbm, dst_hbm, zero_hbm, out_hbm, srcv, dstv, *rest):
    rows = rest[:NBANK]
    acc = rest[NBANK]
    gsems = rest[NBANK + 1 : NBANK + 1 + NBANK]
    ssems = rest[NBANK + 1 + NBANK :]
    c = lax.axis_index("c")
    s = lax.axis_index("s")
    wid = c * NS + s
    pltpu.sync_copy(src_hbm.at[wid], srcv)
    pltpu.sync_copy(dst_hbm.at[wid], dstv)
    pltpu.sync_copy(zero_hbm, acc.at[pl.ds(s * RPT, RPT)])

    def fire(j, t):
        @pl.when(j < NCHUNK)
        def _():
            pltpu.async_copy(hp_hbm.at[srcv.at[pl.ds(j * K, K)]], rows[t], gsems[t])

    for t in range(NBANK):
        fire(t, t)
    plsc.subcore_barrier()

    def round_(r, carry):
        for t in range(NBANK):
            j = r * NBANK + t

            @pl.when(j < NCHUNK)
            def _():
                pltpu.make_async_copy(
                    hp_hbm.at[srcv.at[pl.ds(j * K, K)]], rows[t], gsems[t]
                ).wait()
                pltpu.async_copy(
                    rows[t], acc.at[dstv.at[pl.ds(j * K, K)]], ssems[t], add=True
                )

            jd = j - LAG
            td = (t - LAG) % NBANK

            @pl.when((jd >= 0) & (jd < NCHUNK))
            def _():
                pltpu.make_async_copy(
                    rows[td], acc.at[dstv.at[pl.ds(jd * K, K)]], ssems[td]
                ).wait()
                fire(jd + NBANK, td)

        return carry

    lax.fori_loop(0, (NCHUNK + LAG + NBANK - 1) // NBANK, round_, 0)
    plsc.subcore_barrier()
    pltpu.sync_copy(acc.at[pl.ds(s * RPT, RPT)], out_hbm.at[c, pl.ds(s * RPT, RPT)])


_agg = pl.kernel(
    _agg_body,
    out_type=jax.ShapeDtypeStruct((NC, NP, D), jnp.float32),
    mesh=_mesh,
    compiler_params=pltpu.CompilerParams(needs_layout_passes=False),
    scratch_types=[
        pltpu.VMEM((EPW,), jnp.int32),
        pltpu.VMEM((EPW,), jnp.int32),
    ]
    + [pltpu.VMEM((K, D), jnp.float32)] * NBANK
    + [pltpu.VMEM_SHARED((NP, D), jnp.float32)]
    + [pltpu.SemaphoreType.DMA] * (2 * NBANK),
)



def _mm_body(pd_ref, x_ref, w_ref, hp_ref):
    i = pl.program_id(0)
    deg = jnp.sum(pd_ref[:, pl.ds(i * BLK, BLK)], axis=0) + 1.0
    dis = lax.rsqrt(deg)
    h = jnp.dot(x_ref[...], w_ref[...], preferred_element_type=jnp.float32)
    hp_ref[...] = h * dis[:, None]


_mm = pl.pallas_call(
    _mm_body,
    grid=(NP // BLK,),
    in_specs=[
        pl.BlockSpec((NW, NP), lambda i: (0, 0)),
        pl.BlockSpec((BLK, D), lambda i: (i, 0)),
        pl.BlockSpec((D, D), lambda i: (0, 0)),
    ],
    out_specs=pl.BlockSpec((BLK, D), lambda i: (i, 0)),
    out_shape=jax.ShapeDtypeStruct((NP, D), jnp.float32),
)



def _fin_body(pd_ref, p_ref, hp_ref, b_ref, out_ref):
    i = pl.program_id(0)
    deg = jnp.sum(pd_ref[:, pl.ds(i * BLK, BLK)], axis=0) + 1.0
    dis = lax.rsqrt(deg)
    p = p_ref[...]
    v = (p[0] + p[1] + hp_ref[...]) * dis[:, None] + b_ref[...]
    act = jnp.maximum(v, 0.0)
    m = jnp.max(act, axis=1, keepdims=True)
    ii = lax.broadcasted_iota(jnp.int32, act.shape, 1)
    out_ref[...] = jnp.min(jnp.where(act >= m, ii, D), axis=1)[:, None]


_fin = pl.pallas_call(
    _fin_body,
    grid=(NP // BLK,),
    in_specs=[
        pl.BlockSpec((NW, NP), lambda i: (0, 0)),
        pl.BlockSpec((NC, BLK, D), lambda i: (0, i, 0)),
        pl.BlockSpec((BLK, D), lambda i: (i, 0)),
        pl.BlockSpec((1, D), lambda i: (0, 0)),
    ],
    out_specs=pl.BlockSpec((BLK, 1), lambda i: (i, 0)),
    out_shape=jax.ShapeDtypeStruct((N, 1), jnp.int32),
)


def kernel(x, edge_index, W, b):
    src = edge_index[0].astype(jnp.int32).reshape(NW, EPW)
    dst = edge_index[1].astype(jnp.int32).reshape(NW, EPW)
    pd = _hist(dst)
    hp = _mm(pd, x, W)
    zero = jnp.zeros((RPT, D), jnp.float32)
    parts = _agg(hp, src, dst, zero)
    out2 = _fin(pd, parts, hp, b.reshape(1, D))
    return out2.reshape(N)

# --- scband reference (transcript-rebuilt; emitter-appended) ---
"""Pipeline reference for scband-simple-gnn-6468220748640 (READ-ONLY COPY).

The authoritative reference and input builder live on the scoring server;
editing this copy changes nothing except your own understanding.
"""

import jax, jax.numpy as jnp
import numpy as np

N_NODES = 10000
N_EDGES = 320000
D_IN = 128
D_OUT = 128


def setup_inputs(seed: int = 0) -> dict:
    key = jax.random.key(seed)
    k1, k2, k3 = jax.random.split(key, 3)
    x = jax.random.normal(k1, (N_NODES, D_IN), dtype=jnp.float32)
    edge_index = jax.random.randint(k2, (2, N_EDGES), 0, N_NODES, dtype=jnp.int64)
    # GCN layer parameters (glorot-ish init) sized per init_kwargs
    W = jax.random.normal(k3, (D_IN, D_OUT), dtype=jnp.float32) * (1.0 / np.sqrt(D_IN))
    b = jnp.zeros((D_OUT,), dtype=jnp.float32)
    return {"x": x, "edge_index": edge_index, "W": W, "b": b}


def _gcn_conv(x, edge_index, W, b):
    # Faithful GCN layer (Kipf & Welling): add self-loops, symmetric norm,
    # linear transform, scatter-add aggregation, bias.
    N = x.shape[0]
    src = edge_index[0]
    dst = edge_index[1]
    loop = jnp.arange(N, dtype=edge_index.dtype)
    src = jnp.concatenate([src, loop])
    dst = jnp.concatenate([dst, loop])
    # degree computed on destination (col) with unit edge weights
    deg = jnp.zeros((N,), dtype=x.dtype).at[dst].add(1.0)
    deg_inv_sqrt = jnp.where(deg > 0, deg ** -0.5, 0.0)
    norm = deg_inv_sqrt[src] * deg_inv_sqrt[dst]
    h = x @ W
    msgs = h[src] * norm[:, None]
    out = jnp.zeros((N, W.shape[1]), dtype=x.dtype).at[dst].add(msgs)
    return out + b


def reference(x, edge_index, W, b):
    h = _gcn_conv(x, edge_index, W, b)
    act = jax.nn.relu(h)
    return jnp.argmax(act, axis=1)

if __name__ == "__main__":
    import jax
    _d = setup_inputs()
    print(jax.jit(kernel)(*tuple(_d.values())))

</pallas_src>

<mosaic_0001>
#map = affine_map<(d0, d1) -> (0, 0)>
module attributes {stable_mosaic.version = 14 : i64} {
  func.func @_hist_body(%arg0: i32, %arg1: i32, %arg2: memref<32x10000xi32, #tpu.memory_space<hbm>>, %arg3: memref<32x10240xf32, #tpu.memory_space<hbm>>, %arg4: memref<10000xi32, #tpu.memory_space<vmem>>, %arg5: memref<10240xf32, #tpu.memory_space<vmem>>) attributes {dimension_semantics = [#tpu.dimension_semantics<core_parallel>, #tpu.dimension_semantics<subcore_parallel>], iteration_bounds = array<i64: 2, 16>, scalar_prefetch = 0 : i64, scratch_operands = 2 : i64, tpu.core_type = #tpu.core_type<sc_vector_subcore>, window_params = [{transform_indices = #map}, {transform_indices = #map}]} {
    %mul3A = arith.constant 16 : i32
    %mul3A_0 = arith.muli %arg0, %mul3A : i32
    %add3A = arith.addi %mul3A_0, %arg1 : i32
    "tpu.region"() ({
      %run_scoped3A = tpu.sem_alloc : memref<!tpu.dma_semaphore, #tpu.memory_space<semaphore_mem>>
      %dma_start3A = arith.constant 0 : i32
      %dma_start3A_15 = tpu.memref_slice %arg2[%add3A, %dma_start3A] : memref<32x10000xi32, #tpu.memory_space<hbm>> -> memref<1x10000xi32, #tpu.memory_space<hbm>>
      %dma_start3A_16 = tpu.memref_squeeze %dma_start3A_15 : memref<1x10000xi32, #tpu.memory_space<hbm>> -> memref<10000xi32, #tpu.memory_space<hbm>>
      %dma_start3A_17 = arith.constant 0 : i32
      %dma_start3A_18 = tpu.memref_slice %arg2[%add3A, %dma_start3A_17] : memref<32x10000xi32, #tpu.memory_space<hbm>> -> memref<1x10000xi32, #tpu.memory_space<hbm>>
      %dma_start3A_19 = tpu.memref_squeeze %dma_start3A_18 : memref<1x10000xi32, #tpu.memory_space<hbm>> -> memref<10000xi32, #tpu.memory_space<hbm>>
      tpu.enqueue_dma source(%dma_start3A_19 : memref<10000xi32, #tpu.memory_space<hbm>>) target(%arg4 : memref<10000xi32, #tpu.memory_space<vmem>>) target_semaphore(%run_scoped3A : memref<!tpu.dma_semaphore, #tpu.memory_space<semaphore_mem>>)
      %dma_wait3A = arith.constant 0 : i32
      %dma_wait3A_20 = tpu.memref_slice %arg2[%add3A, %dma_wait3A] : memref<32x10000xi32, #tpu.memory_space<hbm>> -> memref<1x10000xi32, #tpu.memory_space<hbm>>
      %dma_wait3A_21 = tpu.memref_squeeze %dma_wait3A_20 : memref<1x10000xi32, #tpu.memory_space<hbm>> -> memref<10000xi32, #tpu.memory_space<hbm>>
      %dma_wait3A_22 = arith.constant 0 : i32
      %dma_wait3A_23 = tpu.memref_slice %arg2[%add3A, %dma_wait3A_22] : memref<32x10000xi32, #tpu.memory_space<hbm>> -> memref<1x10000xi32, #tpu.memory_space<hbm>>
      %dma_wait3A_24 = tpu.memref_squeeze %dma_wait3A_23 : memref<1x10000xi32, #tpu.memory_space<hbm>> -> memref<10000xi32, #tpu.memory_space<hbm>>
      tpu.wait_dma2 semaphore(%run_scoped3A : memref<!tpu.dma_semaphore, #tpu.memory_space<semaphore_mem>>) src(%dma_wait3A_24 : memref<10000xi32, #tpu.memory_space<hbm>>) dst(%arg4 : memref<10000xi32, #tpu.memory_space<vmem>>)
      tpu.yield
    }) : () -> ()
    %broadcast_in_dim3A = arith.constant 0.000000e+00 : f32
    %broadcast_in_dim3A_1 = vector.broadcast %broadcast_in_dim3A : f32 to vector<16xf32>
    %scan3A = arith.constant 0 : i32
    %scan3A_2 = arith.constant 0 : i32
    %scan3A_3 = arith.constant 640 : i32
    %scan3A_4 = arith.addi %scan3A_2, %scan3A_3 : i32
    %scan3A_5 = arith.constant 1 : i32
    scf.for %scan3A_15 = %scan3A_2 to %scan3A_4 step %scan3A_5  : i32 {
      %mul3A_16 = arith.constant 16 : i32
      %mul3A_17 = arith.muli %scan3A_15, %mul3A_16 : i32
      %swap3A = arith.index_cast %mul3A_17 : i32 to index
      %swap3A_18 = tpu.vector_load %arg5[%swap3A] {strides = array<i32>} : memref<10240xf32, #tpu.memory_space<vmem>>, vector<16xf32>,
      tpu.vector_store %arg5[%swap3A], %broadcast_in_dim3A_1 {strides = array<i32>} : memref<10240xf32, #tpu.memory_space<vmem>>, vector<16xf32>,
    }
    %scan3A_6 = arith.constant 640 : i32
    %broadcast_in_dim3A_7 = arith.constant 1.000000e+00 : f32
    %broadcast_in_dim3A_8 = vector.broadcast %broadcast_in_dim3A_7 : f32 to vector<16xf32>
    %scan3A_9 = arith.constant 0 : i32
    %scan3A_10 = arith.constant 0 : i32
    %scan3A_11 = arith.constant 625 : i32
    %scan3A_12 = arith.addi %scan3A_10, %scan3A_11 : i32
    %scan3A_13 = arith.constant 1 : i32
    scf.for %scan3A_15 = %scan3A_10 to %scan3A_12 step %scan3A_13  : i32 {
      %mul3A_16 = arith.constant 16 : i32
      %mul3A_17 = arith.muli %scan3A_15, %mul3A_16 : i32
      %get3A = arith.index_cast %mul3A_17 : i32 to index
      %get3A_18 = tpu.vector_load %arg4[%get3A] {strides = array<i32>} : memref<10000xi32, #tpu.memory_space<vmem>>, vector<16xi32>,
      tpu.vector_store_idx %arg5[%get3A_18], %broadcast_in_dim3A_8 {add = true} : memref<10240xf32, #tpu.memory_space<vmem>>[vector<16xi32>], vector<16xf32>,
    }
    %scan3A_14 = arith.constant 625 : i32
    "tpu.region"() ({
      %run_scoped3A = tpu.sem_alloc : memref<!tpu.dma_semaphore, #tpu.memory_space<semaphore_mem>>
      %dma_start3A = arith.constant 0 : i32
      %dma_start3A_15 = tpu.memref_slice %arg3[%add3A, %dma_start3A] : memref<32x10240xf32, #tpu.memory_space<hbm>> -> memref<1x10240xf32, #tpu.memory_space<hbm>>
      %dma_start3A_16 = tpu.memref_squeeze %dma_start3A_15 : memref<1x10240xf32, #tpu.memory_space<hbm>> -> memref<10240xf32, #tpu.memory_space<hbm>>
      %dma_start3A_17 = arith.constant 0 : i32
      %dma_start3A_18 = tpu.memref_slice %arg3[%add3A, %dma_start3A_17] : memref<32x10240xf32, #tpu.memory_space<hbm>> -> memref<1x10240xf32, #tpu.memory_space<hbm>>
      %dma_start3A_19 = tpu.memref_squeeze %dma_start3A_18 : memref<1x10240xf32, #tpu.memory_space<hbm>> -> memref<10240xf32, #tpu.memory_space<hbm>>
      tpu.enqueue_dma source(%arg5 : memref<10240xf32, #tpu.memory_space<vmem>>) target(%dma_start3A_19 : memref<10240xf32, #tpu.memory_space<hbm>>) target_semaphore(%run_scoped3A : memref<!tpu.dma_semaphore, #tpu.memory_space<semaphore_mem>>)
      %dma_wait3A = arith.constant 0 : i32
      %dma_wait3A_20 = tpu.memref_slice %arg3[%add3A, %dma_wait3A] : memref<32x10240xf32, #tpu.memory_space<hbm>> -> memref<1x10240xf32, #tpu.memory_space<hbm>>
      %dma_wait3A_21 = tpu.memref_squeeze %dma_wait3A_20 : memref<1x10240xf32, #tpu.memory_space<hbm>> -> memref<10240xf32, #tpu.memory_space<hbm>>
      %dma_wait3A_22 = arith.constant 0 : i32
      %dma_wait3A_23 = tpu.memref_slice %arg3[%add3A, %dma_wait3A_22] : memref<32x10240xf32, #tpu.memory_space<hbm>> -> memref<1x10240xf32, #tpu.memory_space<hbm>>
      %dma_wait3A_24 = tpu.memref_squeeze %dma_wait3A_23 : memref<1x10240xf32, #tpu.memory_space<hbm>> -> memref<10240xf32, #tpu.memory_space<hbm>>
      tpu.wait_dma2 semaphore(%run_scoped3A : memref<!tpu.dma_semaphore, #tpu.memory_space<semaphore_mem>>) src(%arg5 : memref<10240xf32, #tpu.memory_space<vmem>>) dst(%dma_wait3A_24 : memref<10240xf32, #tpu.memory_space<hbm>>)
      tpu.yield
    }) : () -> ()
    return
  }
}

#map = affine_map<(d0, d1) -> (0, 0)>
#map1 = affine_map<(d0, d1) -> (0, 0, 0)>
module attributes {stable_mosaic.version = 14 : i64} {
  func.func @_agg_body(%arg0: i32, %arg1: i32, %arg2: memref<10240x128xf32, #tpu.memory_space<hbm>>, %arg3: memref<32x10000xi32, #tpu.memory_space<hbm>>, %arg4: memref<32x10000xi32, #tpu.memory_space<hbm>>, %arg5: memref<640x128xf32, #tpu.memory_space<hbm>>, %arg6: memref<2x10240x128xf32, #tpu.memory_space<hbm>>, %arg7: memref<10000xi32, #tpu.memory_space<vmem>>, %arg8: memref<10000xi32, #tpu.memory_space<vmem>>, %arg9: memref<40x128xf32, #tpu.memory_space<vmem>>, %arg10: memref<40x128xf32, #tpu.memory_space<vmem>>, %arg11: memref<40x128xf32, #tpu.memory_space<vmem>>, %arg12: memref<40x128xf32, #tpu.memory_space<vmem>>, %arg13: memref<10240x128xf32, #tpu.memory_space<vmem_shared>>, %arg14: memref<!tpu.dma_semaphore, #tpu.memory_space<semaphore_mem>>, %arg15: memref<!tpu.dma_semaphore, #tpu.memory_space<semaphore_mem>>, %arg16: memref<!tpu.dma_semaphore, #tpu.memory_space<semaphore_mem>>, %arg17: memref<!tpu.dma_semaphore, #tpu.memory_space<semaphore_mem>>, %arg18: memref<!tpu.dma_semaphore, #tpu.memory_space<semaphore_mem>>, %arg19: memref<!tpu.dma_semaphore, #tpu.memory_space<semaphore_mem>>, %arg20: memref<!tpu.dma_semaphore, #tpu.memory_space<semaphore_mem>>, %arg21: memref<!tpu.dma_semaphore, #tpu.memory_space<semaphore_mem>>) attributes {dimension_semantics = [#tpu.dimension_semantics<core_parallel>, #tpu.dimension_semantics<subcore_parallel>], iteration_bounds = array<i64: 2, 16>, scalar_prefetch = 0 : i64, scratch_operands = 15 : i64, tpu.core_type = #tpu.core_type<sc_vector_subcore>, window_params = [{transform_indices = #map}, {transform_indices = #map}, {transform_indices = #map}, {transform_indices = #map}, {transform_indices = #map1}]} {
    %mul3A = arith.constant 16 : i32
    %mul3A_0 = arith.muli %arg0, %mul3A : i32
    %add3A = arith.addi %mul3A_0, %arg1 : i32
    "tpu.region"() ({
      %run_scoped3A = tpu.sem_alloc : memref<!tpu.dma_semaphore, #tpu.memory_space<semaphore_mem>>
      %dma_start3A_32 = arith.constant 0 : i32
      %dma_start3A_33 = tpu.memref_slice %arg3[%add3A, %dma_start3A_32] : memref<32x10000xi32, #tpu.memory_space<hbm>> -> memref<1x10000xi32, #tpu.memory_space<hbm>>
      %dma_start3A_34 = tpu.memref_squeeze %dma_start3A_33 : memref<1x10000xi32, #tpu.memory_space<hbm>> -> memref<10000xi32, #tpu.memory_space<hbm>>
      %dma_start3A_35 = arith.constant 0 : i32
      %dma_start3A_36 = tpu.memref_slice %arg3[%add3A, %dma_start3A_35] : memref<32x10000xi32, #tpu.memory_space<hbm>> -> memref<1x10000xi32, #tpu.memory_space<hbm>>
      %dma_start3A_37 = tpu.memref_squeeze %dma_start3A_36 : memref<1x10000xi32, #tpu.memory_space<hbm>> -> memref<10000xi32, #tpu.memory_space<hbm>>
      tpu.enqueue_dma source(%dma_start3A_37 : memref<10000xi32, #tpu.memory_space<hbm>>) target(%arg7 : memref<10000xi32, #tpu.memory_space<vmem>>) target_semaphore(%run_scoped3A : memref<!tpu.dma_semaphore, #tpu.memory_space<semaphore_mem>>)
      %dma_wait3A = arith.constant 0 : i32
      %dma_wait3A_38 = tpu.memref_slice %arg3[%add3A, %dma_wait3A] : memref<32x10000xi32, #tpu.memory_space<hbm>> -> memref<1x10000xi32, #tpu.memory_space<hbm>>
      %dma_wait3A_39 = tpu.memref_squeeze %dma_wait3A_38 : memref<1x10000xi32, #tpu.memory_space<hbm>> -> memref<10000xi32, #tpu.memory_space<hbm>>
      %dma_wait3A_40 = arith.constant 0 : i32
      %dma_wait3A_41 = tpu.memref_slice %arg3[%add3A, %dma_wait3A_40] : memref<32x10000xi32, #tpu.memory_space<hbm>> -> memref<1x10000xi32, #tpu.memory_space<hbm>>
      %dma_wait3A_42 = tpu.memref_squeeze %dma_wait3A_41 : memref<1x10000xi32, #tpu.memory_space<hbm>> -> memref<10000xi32, #tpu.memory_space<hbm>>
      tpu.wait_dma2 semaphore(%run_scoped3A : memref<!tpu.dma_semaphore, #tpu.memory_space<semaphore_mem>>) src(%dma_wait3A_42 : memref<10000xi32, #tpu.memory_space<hbm>>) dst(%arg7 : memref<10000xi32, #tpu.memory_space<vmem>>)
      tpu.yield
    }) : () -> ()
    "tpu.region"() ({
      %run_scoped3A = tpu.sem_alloc : memref<!tpu.dma_semaphore, #tpu.memory_space<semaphore_mem>>
      %dma_start3A_32 = arith.constant 0 : i32
      %dma_start3A_33 = tpu.memref_slice %arg4[%add3A, %dma_start3A_32] : memref<32x10000xi32, #tpu.memory_space<hbm>> -> memref<1x10000xi32, #tpu.memory_space<hbm>>
      %dma_start3A_34 = tpu.memref_squeeze %dma_start3A_33 : memref<1x10000xi32, #tpu.memory_space<hbm>> -> memref<10000xi32, #tpu.memory_space<hbm>>
      %dma_start3A_35 = arith.constant 0 : i32
      %dma_start3A_36 = tpu.memref_slice %arg4[%add3A, %dma_start3A_35] : memref<32x10000xi32, #tpu.memory_space<hbm>> -> memref<1x10000xi32, #tpu.memory_space<hbm>>
      %dma_start3A_37 = tpu.memref_squeeze %dma_start3A_36 : memref<1x10000xi32, #tpu.memory_space<hbm>> -> memref<10000xi32, #tpu.memory_space<hbm>>
      tpu.enqueue_dma source(%dma_start3A_37 : memref<10000xi32, #tpu.memory_space<hbm>>) target(%arg8 : memref<10000xi32, #tpu.memory_space<vmem>>) target_semaphore(%run_scoped3A : memref<!tpu.dma_semaphore, #tpu.memory_space<semaphore_mem>>)
      %dma_wait3A = arith.constant 0 : i32
      %dma_wait3A_38 = tpu.memref_slice %arg4[%add3A, %dma_wait3A] : memref<32x10000xi32, #tpu.memory_space<hbm>> -> memref<1x10000xi32, #tpu.memory_space<hbm>>
      %dma_wait3A_39 = tpu.memref_squeeze %dma_wait3A_38 : memref<1x10000xi32, #tpu.memory_space<hbm>> -> memref<10000xi32, #tpu.memory_space<hbm>>
      %dma_wait3A_40 = arith.constant 0 : i32
      %dma_wait3A_41 = tpu.memref_slice %arg4[%add3A, %dma_wait3A_40] : memref<32x10000xi32, #tpu.memory_space<hbm>> -> memref<1x10000xi32, #tpu.memory_space<hbm>>
      %dma_wait3A_42 = tpu.memref_squeeze %dma_wait3A_41 : memref<1x10000xi32, #tpu.memory_space<hbm>> -> memref<10000xi32, #tpu.memory_space<hbm>>
      tpu.wait_dma2 semaphore(%run_scoped3A : memref<!tpu.dma_semaphore, #tpu.memory_space<semaphore_mem>>) src(%dma_wait3A_42 : memref<10000xi32, #tpu.memory_space<hbm>>) dst(%arg8 : memref<10000xi32, #tpu.memory_space<vmem>>)
      tpu.yield
    }) : () -> ()
    %mul3A_1 = arith.constant 640 : i32
    %mul3A_2 = arith.muli %arg1, %mul3A_1 : i32
    "tpu.region"() ({
      %run_scoped3A = tpu.sem_alloc : memref<!tpu.dma_semaphore, #tpu.memory_space<semaphore_mem>>
      %dma_start3A_32 = arith.constant 0 : i32
      %dma_start3A_33 = tpu.memref_slice %arg13[%mul3A_2, %dma_start3A_32] : memref<10240x128xf32, #tpu.memory_space<vmem_shared>> -> memref<640x128xf32, #tpu.memory_space<vmem_shared>>
      tpu.enqueue_dma source(%arg5 : memref<640x128xf32, #tpu.memory_space<hbm>>) target(%dma_start3A_33 : memref<640x128xf32, #tpu.memory_space<vmem_shared>>) target_semaphore(%run_scoped3A : memref<!tpu.dma_semaphore, #tpu.memory_space<semaphore_mem>>)
      %dma_wait3A = arith.constant 0 : i32
      %dma_wait3A_34 = tpu.memref_slice %arg13[%mul3A_2, %dma_wait3A] : memref<10240x128xf32, #tpu.memory_space<vmem_shared>> -> memref<640x128xf32, #tpu.memory_space<vmem_shared>>
      tpu.wait_dma2 semaphore(%run_scoped3A : memref<!tpu.dma_semaphore, #tpu.memory_space<semaphore_mem>>) src(%arg5 : memref<640x128xf32, #tpu.memory_space<hbm>>) dst(%dma_wait3A_34 : memref<640x128xf32, #tpu.memory_space<vmem_shared>>)
      tpu.yield
    }) : () -> ()
    %dma_start3A = arith.constant 0 : i32
    %dma_start3A_3 = tpu.memref_slice %arg7[%dma_start3A] : memref<10000xi32, #tpu.memory_space<vmem>> -> memref<40xi32, #tpu.memory_space<vmem>>
    %dma_start3A_4 = arith.constant 0 : i32
    %dma_start3A_5 = arith.constant 0 : i32
    %dma_start3A_6 = tpu.memref_slice %arg2[%dma_start3A_4, %dma_start3A_5] : memref<10240x128xf32, #tpu.memory_space<hbm>> -> memref<10240x128xf32, #tpu.memory_space<hbm>>
    tpu.enqueue_indirect_dma source(%dma_start3A_6 : memref<10240x128xf32, #tpu.memory_space<hbm>>) target(%arg9 : memref<40x128xf32, #tpu.memory_space<vmem>>) offsets(%dma_start3A_3 : memref<40xi32, #tpu.memory_space<vmem>>) semaphore(%arg14 : memref<!tpu.dma_semaphore, #tpu.memory_space<semaphore_mem>>)
    %dma_start3A_7 = arith.constant 40 : i32
    %dma_start3A_8 = tpu.memref_slice %arg7[%dma_start3A_7] : memref<10000xi32, #tpu.memory_space<vmem>> -> memref<40xi32, #tpu.memory_space<vmem>>
    %dma_start3A_9 = arith.constant 0 : i32
    %dma_start3A_10 = arith.constant 0 : i32
    %dma_start3A_11 = tpu.memref_slice %arg2[%dma_start3A_9, %dma_start3A_10] : memref<10240x128xf32, #tpu.memory_space<hbm>> -> memref<10240x128xf32, #tpu.memory_space<hbm>>
    tpu.enqueue_indirect_dma source(%dma_start3A_11 : memref<10240x128xf32, #tpu.memory_space<hbm>>) target(%arg10 : memref<40x128xf32, #tpu.memory_space<vmem>>) offsets(%dma_start3A_8 : memref<40xi32, #tpu.memory_space<vmem>>) semaphore(%arg15 : memref<!tpu.dma_semaphore, #tpu.memory_space<semaphore_mem>>)
    %dma_start3A_12 = arith.constant 80 : i32
    %dma_start3A_13 = tpu.memref_slice %arg7[%dma_start3A_12] : memref<10000xi32, #tpu.memory_space<vmem>> -> memref<40xi32, #tpu.memory_space<vmem>>
    %dma_start3A_14 = arith.constant 0 : i32
    %dma_start3A_15 = arith.constant 0 : i32
    %dma_start3A_16 = tpu.memref_slice %arg2[%dma_start3A_14, %dma_start3A_15] : memref<10240x128xf32, #tpu.memory_space<hbm>> -> memref<10240x128xf32, #tpu.memory_space<hbm>>
    tpu.enqueue_indirect_dma source(%dma_start3A_16 : memref<10240x128xf32, #tpu.memory_space<hbm>>) target(%arg11 : memref<40x128xf32, #tpu.memory_space<vmem>>) offsets(%dma_start3A_13 : memref<40xi32, #tpu.memory_space<vmem>>) semaphore(%arg16 : memref<!tpu.dma_semaphore, #tpu.memory_space<semaphore_mem>>)
    %dma_start3A_17 = arith.constant 120 : i32
    %dma_start3A_18 = tpu.memref_slice %arg7[%dma_start3A_17] : memref<10000xi32, #tpu.memory_space<vmem>> -> memref<40xi32, #tpu.memory_space<vmem>>
    %dma_start3A_19 = arith.constant 0 : i32
    %dma_start3A_20 = arith.constant 0 : i32
    %dma_start3A_21 = tpu.memref_slice %arg2[%dma_start3A_19, %dma_start3A_20] : memref<10240x128xf32, #tpu.memory_space<hbm>> -> memref<10240x128xf32, #tpu.memory_space<hbm>>
    tpu.enqueue_indirect_dma source(%dma_start3A_21 : memref<10240x128xf32, #tpu.memory_space<hbm>>) target(%arg12 : memref<40x128xf32, #tpu.memory_space<vmem>>) offsets(%dma_start3A_18 : memref<40xi32, #tpu.memory_space<vmem>>) semaphore(%arg17 : memref<!tpu.dma_semaphore, #tpu.memory_space<semaphore_mem>>)
    %barrier3A = arith.constant 0 : index
    tpu.barrier barrier_id(%barrier3A)
    %scan3A = arith.constant 0 : i32
    %scan3A_22 = arith.constant 0 : i32
    %scan3A_23 = arith.constant 63 : i32
    %scan3A_24 = arith.addi %scan3A_22, %scan3A_23 : i32
    %scan3A_25 = arith.constant 1 : i32
    scf.for %scan3A_32 = %scan3A_22 to %scan3A_24 step %scan3A_25  : i32 {
      %mul3A_33 = arith.constant 4 : i32
      %mul3A_34 = arith.muli %scan3A_32, %mul3A_33 : i32
      %add3A_35 = arith.constant 0 : i32
      %add3A_36 = arith.addi %mul3A_34, %add3A_35 : i32
      %lt3A = arith.constant 250 : i32
      %lt3A_37 = arith.cmpi slt, %add3A_36, %lt3A : i32
      %convert_element_type3A = arith.extui %lt3A_37 : i1 to i32
      %cond3A = arith.constant 0 : i32
      %cond3A_38 = arith.cmpi ne, %convert_element_type3A, %cond3A : i32
      scf.if %cond3A_38 {
        %mul3A_103 = arith.constant 40 : i32
        %mul3A_104 = arith.muli %add3A_36, %mul3A_103 : i32
        %dma_wait3A = tpu.memref_slice %arg7[%mul3A_104] : memref<10000xi32, #tpu.memory_space<vmem>> -> memref<40xi32, #tpu.memory_space<vmem>>
        %dma_wait3A_105 = arith.constant 0 : i32
        %dma_wait3A_106 = arith.constant 0 : i32
        %dma_wait3A_107 = tpu.memref_slice %arg2[%dma_wait3A_105, %dma_wait3A_106] : memref<10240x128xf32, #tpu.memory_space<hbm>> -> memref<10240x128xf32, #tpu.memory_space<hbm>>
        tpu.wait_indirect_dma semaphore(%arg14 : memref<!tpu.dma_semaphore, #tpu.memory_space<semaphore_mem>>) src(%dma_wait3A_107 : memref<10240x128xf32, #tpu.memory_space<hbm>>) dst(%arg9 : memref<40x128xf32, #tpu.memory_space<vmem>>)
        %mul3A_108 = arith.constant 40 : i32
        %mul3A_109 = arith.muli %add3A_36, %mul3A_108 : i32
        %dma_start3A_110 = tpu.memref_slice %arg8[%mul3A_109] : memref<10000xi32, #tpu.memory_space<vmem>> -> memref<40xi32, #tpu.memory_space<vmem>>
        %dma_start3A_111 = arith.constant 0 : i32
        %dma_start3A_112 = arith.constant 0 : i32
        %dma_start3A_113 = tpu.memref_slice %arg13[%dma_start3A_111, %dma_start3A_112] : memref<10240x128xf32, #tpu.memory_space<vmem_shared>> -> memref<10240x128xf32, #tpu.memory_space<vmem_shared>>
        tpu.enqueue_indirect_dma source(%arg9 : memref<40x128xf32, #tpu.memory_space<vmem>>) target(%dma_start3A_113 : memref<10240x128xf32, #tpu.memory_space<vmem_shared>>) offsets(%dma_start3A_110 : memref<40xi32, #tpu.memory_space<vmem>>) semaphore(%arg18 : memref<!tpu.dma_semaphore, #tpu.memory_space<semaphore_mem>>) {add = true}
      } else {
      }
      %sub3A = arith.constant 2 : i32
      %sub3A_39 = arith.subi %add3A_36, %sub3A : i32
      %ge3A = arith.constant 0 : i32
      %ge3A_40 = arith.cmpi sge, %sub3A_39, %ge3A : i32
      %lt3A_41 = arith.constant 250 : i32
      %lt3A_42 = arith.cmpi slt, %sub3A_39, %lt3A_41 : i32
      %and3A = arith.andi %ge3A_40, %lt3A_42 : i1
      %convert_element_type3A_43 = arith.extui %and3A : i1 to i32
      %cond3A_44 = arith.constant 0 : i32
      %cond3A_45 = arith.cmpi ne, %convert_element_type3A_43, %cond3A_44 : i32
      scf.if %cond3A_45 {
        %mul3A_103 = arith.constant 40 : i32
        %mul3A_104 = arith.muli %sub3A_39, %mul3A_103 : i32
        %dma_wait3A = tpu.memref_slice %arg8[%mul3A_104] : memref<10000xi32, #tpu.memory_space<vmem>> -> memref<40xi32, #tpu.memory_space<vmem>>
        %dma_wait3A_105 = arith.constant 0 : i32
        %dma_wait3A_106 = arith.constant 0 : i32
        %dma_wait3A_107 = tpu.memref_slice %arg13[%dma_wait3A_105, %dma_wait3A_106] : memref<10240x128xf32, #tpu.memory_space<vmem_shared>> -> memref<10240x128xf32, #tpu.memory_space<vmem_shared>>
        tpu.wait_indirect_dma semaphore(%arg20 : memref<!tpu.dma_semaphore, #tpu.memory_space<semaphore_mem>>) src(%arg11 : memref<40x128xf32, #tpu.memory_space<vmem>>) dst(%dma_wait3A_107 : memref<10240x128xf32, #tpu.memory_space<vmem_shared>>)
        %add3A_108 = arith.constant 4 : i32
        %add3A_109 = arith.addi %sub3A_39, %add3A_108 : i32
        %lt3A_110 = arith.constant 250 : i32
        %lt3A_111 = arith.cmpi slt, %add3A_109, %lt3A_110 : i32
        %convert_element_type3A_112 = arith.extui %lt3A_111 : i1 to i32
        %cond3A_113 = arith.constant 0 : i32
        %cond3A_114 = arith.cmpi ne, %convert_element_type3A_112, %cond3A_113 : i32
        scf.if %cond3A_114 {
          %mul3A_115 = arith.constant 40 : i32
          %mul3A_116 = arith.muli %add3A_109, %mul3A_115 : i32
          %dma_start3A_117 = tpu.memref_slice %arg7[%mul3A_116] : memref<10000xi32, #tpu.memory_space<vmem>> -> memref<40xi32, #tpu.memory_space<vmem>>
          %dma_start3A_118 = arith.constant 0 : i32
          %dma_start3A_119 = arith.constant 0 : i32
          %dma_start3A_120 = tpu.memref_slice %arg2[%dma_start3A_118, %dma_start3A_119] : memref<10240x128xf32, #tpu.memory_space<hbm>> -> memref<10240x128xf32, #tpu.memory_space<hbm>>
          tpu.enqueue_indirect_dma source(%dma_start3A_120 : memref<10240x128xf32, #tpu.memory_space<hbm>>) target(%arg11 : memref<40x128xf32, #tpu.memory_space<vmem>>) offsets(%dma_start3A_117 : memref<40xi32, #tpu.memory_space<vmem>>) semaphore(%arg16 : memref<!tpu.dma_semaphore, #tpu.memory_space<semaphore_mem>>)
        } else {
        }
      } else {
      }
      %mul3A_46 = arith.constant 4 : i32
      %mul3A_47 = arith.muli %scan3A_32, %mul3A_46 : i32
      %add3A_48 = arith.constant 1 : i32
      %add3A_49 = arith.addi %mul3A_47, %add3A_48 : i32
      %lt3A_50 = arith.constant 250 : i32
      %lt3A_51 = arith.cmpi slt, %add3A_49, %lt3A_50 : i32
      %convert_element_type3A_52 = arith.extui %lt3A_51 : i1 to i32
      %cond3A_53 = arith.constant 0 : i32
      %cond3A_54 = arith.cmpi ne, %convert_element_type3A_52, %cond3A_53 : i32
      scf.if %cond3A_54 {
        %mul3A_103 = arith.constant 40 : i32
        %mul3A_104 = arith.muli %add3A_49, %mul3A_103 : i32
        %dma_wait3A = tpu.memref_slice %arg7[%mul3A_104] : memref<10000xi32, #tpu.memory_space<vmem>> -> memref<40xi32, #tpu.memory_space<vmem>>
        %dma_wait3A_105 = arith.constant 0 : i32
        %dma_wait3A_106 = arith.constant 0 : i32
        %dma_wait3A_107 = tpu.memref_slice %arg2[%dma_wait3A_105, %dma_wait3A_106] : memref<10240x128xf32, #tpu.memory_space<hbm>> -> memref<10240x128xf32, #tpu.memory_space<hbm>>
        tpu.wait_indirect_dma semaphore(%arg15 : memref<!tpu.dma_semaphore, #tpu.memory_space<semaphore_mem>>) src(%dma_wait3A_107 : memref<10240x128xf32, #tpu.memory_space<hbm>>) dst(%arg10 : memref<40x128xf32, #tpu.memory_space<vmem>>)
        %mul3A_108 = arith.constant 40 : i32
        %mul3A_109 = arith.muli %add3A_49, %mul3A_108 : i32
        %dma_start3A_110 = tpu.memref_slice %arg8[%mul3A_109] : memref<10000xi32, #tpu.memory_space<vmem>> -> memref<40xi32, #tpu.memory_space<vmem>>
        %dma_start3A_111 = arith.constant 0 : i32
        %dma_start3A_112 = arith.constant 0 : i32
        %dma_start3A_113 = tpu.memref_slice %arg13[%dma_start3A_111, %dma_start3A_112] : memref<10240x128xf32, #tpu.memory_space<vmem_shared>> -> memref<10240x128xf32, #tpu.memory_space<vmem_shared>>
        tpu.enqueue_indirect_dma source(%arg10 : memref<40x128xf32, #tpu.memory_space<vmem>>) target(%dma_start3A_113 : memref<10240x128xf32, #tpu.memory_space<vmem_shared>>) offsets(%dma_start3A_110 : memref<40xi32, #tpu.memory_space<vmem>>) semaphore(%arg19 : memref<!tpu.dma_semaphore, #tpu.memory_space<semaphore_mem>>) {add = true}
      } else {
      }
      %sub3A_55 = arith.constant 2 : i32
      %sub3A_56 = arith.subi %add3A_49, %sub3A_55 : i32
      %ge3A_57 = arith.constant 0 : i32
      %ge3A_58 = arith.cmpi sge, %sub3A_56, %ge3A_57 : i32
      %lt3A_59 = arith.constant 250 : i32
      %lt3A_60 = arith.cmpi slt, %sub3A_56, %lt3A_59 : i32
      %and3A_61 = arith.andi %ge3A_58, %lt3A_60 : i1
      %convert_element_type3A_62 = arith.extui %and3A_61 : i1 to i32
      %cond3A_63 = arith.constant 0 : i32
      %cond3A_64 = arith.cmpi ne, %convert_element_type3A_62, %cond3A_63 : i32
      scf.if %cond3A_64 {
        %mul3A_103 = arith.constant 40 : i32
        %mul3A_104 = arith.muli %sub3A_56, %mul3A_103 : i32
        %dma_wait3A = tpu.memref_slice %arg8[%mul3A_104] : memref<10000xi32, #tpu.memory_space<vmem>> -> memref<40xi32, #tpu.memory_space<vmem>>
        %dma_wait3A_105 = arith.constant 0 : i32
        %dma_wait3A_106 = arith.constant 0 : i32
        %dma_wait3A_107 = tpu.memref_slice %arg13[%dma_wait3A_105, %dma_wait3A_106] : memref<10240x128xf32, #tpu.memory_space<vmem_shared>> -> memref<10240x128xf32, #tpu.memory_space<vmem_shared>>
        tpu.wait_indirect_dma semaphore(%arg21 : memref<!tpu.dma_semaphore, #tpu.memory_space<semaphore_mem>>) src(%arg12 : memref<40x128xf32, #tpu.memory_space<vmem>>) dst(%dma_wait3A_107 : memref<10240x128xf32, #tpu.memory_space<vmem_shared>>)
        %add3A_108 = arith.constant 4 : i32
        %add3A_109 = arith.addi %sub3A_56, %add3A_108 : i32
        %lt3A_110 = arith.constant 250 : i32
        %lt3A_111 = arith.cmpi slt, %add3A_109, %lt3A_110 : i32
        %convert_element_type3A_112 = arith.extui %lt3A_111 : i1 to i32
        %cond3A_113 = arith.constant 0 : i32
        %cond3A_114 = arith.cmpi ne, %convert_element_type3A_112, %cond3A_113 : i32
        scf.if %cond3A_114 {
          %mul3A_115 = arith.constant 40 : i32
          %mul3A_116 = arith.muli %add3A_109, %mul3A_115 : i32
          %dma_start3A_117 = tpu.memref_slice %arg7[%mul3A_116] : memref<10000xi32, #tpu.memory_space<vmem>> -> memref<40xi32, #tpu.memory_space<vmem>>
          %dma_start3A_118 = arith.constant 0 : i32
          %dma_start3A_119 = arith.constant 0 : i32
          %dma_start3A_120 = tpu.memref_slice %arg2[%dma_start3A_118, %dma_start3A_119] : memref<10240x128xf32, #tpu.memory_space<hbm>> -> memref<10240x128xf32, #tpu.memory_space<hbm>>
          tpu.enqueue_indirect_dma source(%dma_start3A_120 : memref<10240x128xf32, #tpu.memory_space<hbm>>) target(%arg12 : memref<40x128xf32, #tpu.memory_space<vmem>>) offsets(%dma_start3A_117 : memref<40xi32, #tpu.memory_space<vmem>>) semaphore(%arg17 : memref<!tpu.dma_semaphore, #tpu.memory_space<semaphore_mem>>)
        } else {
        }
      } else {
      }
      %mul3A_65 = arith.constant 4 : i32
      %mul3A_66 = arith.muli %scan3A_32, %mul3A_65 : i32
      %add3A_67 = arith.constant 2 : i32
      %add3A_68 = arith.addi %mul3A_66, %add3A_67 : i32
      %lt3A_69 = arith.constant 250 : i32
      %lt3A_70 = arith.cmpi slt, %add3A_68, %lt3A_69 : i32
      %convert_element_type3A_71 = arith.extui %lt3A_70 : i1 to i32
      %cond3A_72 = arith.constant 0 : i32
      %cond3A_73 = arith.cmpi ne, %convert_element_type3A_71, %cond3A_72 : i32
      scf.if %cond3A_73 {
        %mul3A_103 = arith.constant 40 : i32
        %mul3A_104 = arith.muli %add3A_68, %mul3A_103 : i32
        %dma_wait3A = tpu.memref_slice %arg7[%mul3A_104] : memref<10000xi32, #tpu.memory_space<vmem>> -> memref<40xi32, #tpu.memory_space<vmem>>
        %dma_wait3A_105 = arith.constant 0 : i32
        %dma_wait3A_106 = arith.constant 0 : i32
        %dma_wait3A_107 = tpu.memref_slice %arg2[%dma_wait3A_105, %dma_wait3A_106] : memref<10240x128xf32, #tpu.memory_space<hbm>> -> memref<10240x128xf32, #tpu.memory_space<hbm>>
        tpu.wait_indirect_dma semaphore(%arg16 : memref<!tpu.dma_semaphore, #tpu.memory_space<semaphore_mem>>) src(%dma_wait3A_107 : memref<10240x128xf32, #tpu.memory_space<hbm>>) dst(%arg11 : memref<40x128xf32, #tpu.memory_space<vmem>>)
        %mul3A_108 = arith.constant 40 : i32
        %mul3A_109 = arith.muli %add3A_68, %mul3A_108 : i32
        %dma_start3A_110 = tpu.memref_slice %arg8[%mul3A_109] : memref<10000xi32, #tpu.memory_space<vmem>> -> memref<40xi32, #tpu.memory_space<vmem>>
        %dma_start3A_111 = arith.constant 0 : i32
        %dma_start3A_112 = arith.constant 0 : i32
        %dma_start3A_113 = tpu.memref_slice %arg13[%dma_start3A_111, %dma_start3A_112] : memref<10240x128xf32, #tpu.memory_space<vmem_shared>> -> memref<10240x128xf32, #tpu.memory_space<vmem_shared>>
        tpu.enqueue_indirect_dma source(%arg11 : memref<40x128xf32, #tpu.memory_space<vmem>>) target(%dma_start3A_113 : memref<10240x128xf32, #tpu.memory_space<vmem_shared>>) offsets(%dma_start3A_110 : memref<40xi32, #tpu.memory_space<vmem>>) semaphore(%arg20 : memref<!tpu.dma_semaphore, #tpu.memory_space<semaphore_mem>>) {add = true}
      } else {
      }
      %sub3A_74 = arith.constant 2 : i32
      %sub3A_75 = arith.subi %add3A_68, %sub3A_74 : i32
      %ge3A_76 = arith.constant 0 : i32
      %ge3A_77 = arith.cmpi sge, %sub3A_75, %ge3A_76 : i32
      %lt3A_78 = arith.constant 250 : i32
      %lt3A_79 = arith.cmpi slt, %sub3A_75, %lt3A_78 : i32
      %and3A_80 = arith.andi %ge3A_77, %lt3A_79 : i1
      %convert_element_type3A_81 = arith.extui %and3A_80 : i1 to i32
      %cond3A_82 = arith.constant 0 : i32
      %cond3A_83 = arith.cmpi ne, %convert_element_type3A_81, %cond3A_82 : i32
      scf.if %cond3A_83 {
        %mul3A_103 = arith.constant 40 : i32
        %mul3A_104 = arith.muli %sub3A_75, %mul3A_103 : i32
        %dma_wait3A = tpu.memref_slice %arg8[%mul3A_104] : memref<10000xi32, #tpu.memory_space<vmem>> -> memref<40xi32, #tpu.memory_space<vmem>>
        %dma_wait3A_105 = arith.constant 0 : i32
        %dma_wait3A_106 = arith.constant 0 : i32
        %dma_wait3A_107 = tpu.memref_slice %arg13[%dma_wait3A_105, %dma_wait3A_106] : memref<10240x128xf32, #tpu.memory_space<vmem_shared>> -> memref<10240x128xf32, #tpu.memory_space<vmem_shared>>
        tpu.wait_indirect_dma semaphore(%arg18 : memref<!tpu.dma_semaphore, #tpu.memory_space<semaphore_mem>>) src(%arg9 : memref<40x128xf32, #tpu.memory_space<vmem>>) dst(%dma_wait3A_107 : memref<10240x128xf32, #tpu.memory_space<vmem_shared>>)
        %add3A_108 = arith.constant 4 : i32
        %add3A_109 = arith.addi %sub3A_75, %add3A_108 : i32
        %lt3A_110 = arith.constant 250 : i32
        %lt3A_111 = arith.cmpi slt, %add3A_109, %lt3A_110 : i32
        %convert_element_type3A_112 = arith.extui %lt3A_111 : i1 to i32
        %cond3A_113 = arith.constant 0 : i32
        %cond3A_114 = arith.cmpi ne, %convert_element_type3A_112, %cond3A_113 : i32
        scf.if %cond3A_114 {
          %mul3A_115 = arith.constant 40 : i32
          %mul3A_116 = arith.muli %add3A_109, %mul3A_115 : i32
          %dma_start3A_117 = tpu.memref_slice %arg7[%mul3A_116] : memref<10000xi32, #tpu.memory_space<vmem>> -> memref<40xi32, #tpu.memory_space<vmem>>
          %dma_start3A_118 = arith.constant 0 : i32
          %dma_start3A_119 = arith.constant 0 : i32
          %dma_start3A_120 = tpu.memref_slice %arg2[%dma_start3A_118, %dma_start3A_119] : memref<10240x128xf32, #tpu.memory_space<hbm>> -> memref<10240x128xf32, #tpu.memory_space<hbm>>
          tpu.enqueue_indirect_dma source(%dma_start3A_120 : memref<10240x128xf32, #tpu.memory_space<hbm>>) target(%arg9 : memref<40x128xf32, #tpu.memory_space<vmem>>) offsets(%dma_start3A_117 : memref<40xi32, #tpu.memory_space<vmem>>) semaphore(%arg14 : memref<!tpu.dma_semaphore, #tpu.memory_space<semaphore_mem>>)
        } else {
        }
      } else {
      }
      %mul3A_84 = arith.constant 4 : i32
      %mul3A_85 = arith.muli %scan3A_32, %mul3A_84 : i32
      %add3A_86 = arith.constant 3 : i32
      %add3A_87 = arith.addi %mul3A_85, %add3A_86 : i32
      %lt3A_88 = arith.constant 250 : i32
      %lt3A_89 = arith.cmpi slt, %add3A_87, %lt3A_88 : i32
      %convert_element_type3A_90 = arith.extui %lt3A_89 : i1 to i32
      %cond3A_91 = arith.constant 0 : i32
      %cond3A_92 = arith.cmpi ne, %convert_element_type3A_90, %cond3A_91 : i32
      scf.if %cond3A_92 {
        %mul3A_103 = arith.constant 40 : i32
        %mul3A_104 = arith.muli %add3A_87, %mul3A_103 : i32
        %dma_wait3A = tpu.memref_slice %arg7[%mul3A_104] : memref<10000xi32, #tpu.memory_space<vmem>> -> memref<40xi32, #tpu.memory_space<vmem>>
        %dma_wait3A_105 = arith.constant 0 : i32
        %dma_wait3A_106 = arith.constant 0 : i32
        %dma_wait3A_107 = tpu.memref_slice %arg2[%dma_wait3A_105, %dma_wait3A_106] : memref<10240x128xf32, #tpu.memory_space<hbm>> -> memref<10240x128xf32, #tpu.memory_space<hbm>>
        tpu.wait_indirect_dma semaphore(%arg17 : memref<!tpu.dma_semaphore, #tpu.memory_space<semaphore_mem>>) src(%dma_wait3A_107 : memref<10240x128xf32, #tpu.memory_space<hbm>>) dst(%arg12 : memref<40x128xf32, #tpu.memory_space<vmem>>)
        %mul3A_108 = arith.constant 40 : i32
        %mul3A_109 = arith.muli %add3A_87, %mul3A_108 : i32
        %dma_start3A_110 = tpu.memref_slice %arg8[%mul3A_109] : memref<10000xi32, #tpu.memory_space<vmem>> -> memref<40xi32, #tpu.memory_space<vmem>>
        %dma_start3A_111 = arith.constant 0 : i32
        %dma_start3A_112 = arith.constant 0 : i32
        %dma_start3A_113 = tpu.memref_slice %arg13[%dma_start3A_111, %dma_start3A_112] : memref<10240x128xf32, #tpu.memory_space<vmem_shared>> -> memref<10240x128xf32, #tpu.memory_space<vmem_shared>>
        tpu.enqueue_indirect_dma source(%arg12 : memref<40x128xf32, #tpu.memory_space<vmem>>) target(%dma_start3A_113 : memref<10240x128xf32, #tpu.memory_space<vmem_shared>>) offsets(%dma_start3A_110 : memref<40xi32, #tpu.memory_space<vmem>>) semaphore(%arg21 : memref<!tpu.dma_semaphore, #tpu.memory_space<semaphore_mem>>) {add = true}
      } else {
      }
      %sub3A_93 = arith.constant 2 : i32
      %sub3A_94 = arith.subi %add3A_87, %sub3A_93 : i32
      %ge3A_95 = arith.constant 0 : i32
      %ge3A_96 = arith.cmpi sge, %sub3A_94, %ge3A_95 : i32
      %lt3A_97 = arith.constant 250 : i32
      %lt3A_98 = arith.cmpi slt, %sub3A_94, %lt3A_97 : i32
      %and3A_99 = arith.andi %ge3A_96, %lt3A_98 : i1
      %convert_element_type3A_100 = arith.extui %and3A_99 : i1 to i32
      %cond3A_101 = arith.constant 0 : i32
      %cond3A_102 = arith.cmpi ne, %convert_element_type3A_100, %cond3A_101 : i32
      scf.if %cond3A_102 {
        %mul3A_103 = arith.constant 40 : i32
        %mul3A_104 = arith.muli %sub3A_94, %mul3A_103 : i32
        %dma_wait3A = tpu.memref_slice %arg8[%mul3A_104] : memref<10000xi32, #tpu.memory_space<vmem>> -> memref<40xi32, #tpu.memory_space<vmem>>
        %dma_wait3A_105 = arith.constant 0 : i32
        %dma_wait3A_106 = arith.constant 0 : i32
        %dma_wait3A_107 = tpu.memref_slice %arg13[%dma_wait3A_105, %dma_wait3A_106] : memref<10240x128xf32, #tpu.memory_space<vmem_shared>> -> memref<10240x128xf32, #tpu.memory_space<vmem_shared>>
        tpu.wait_indirect_dma semaphore(%arg19 : memref<!tpu.dma_semaphore, #tpu.memory_space<semaphore_mem>>) src(%arg10 : memref<40x128xf32, #tpu.memory_space<vmem>>) dst(%dma_wait3A_107 : memref<10240x128xf32, #tpu.memory_space<vmem_shared>>)
        %add3A_108 = arith.constant 4 : i32
        %add3A_109 = arith.addi %sub3A_94, %add3A_108 : i32
        %lt3A_110 = arith.constant 250 : i32
        %lt3A_111 = arith.cmpi slt, %add3A_109, %lt3A_110 : i32
        %convert_element_type3A_112 = arith.extui %lt3A_111 : i1 to i32
        %cond3A_113 = arith.constant 0 : i32
        %cond3A_114 = arith.cmpi ne, %convert_element_type3A_112, %cond3A_113 : i32
        scf.if %cond3A_114 {
          %mul3A_115 = arith.constant 40 : i32
          %mul3A_116 = arith.muli %add3A_109, %mul3A_115 : i32
          %dma_start3A_117 = tpu.memref_slice %arg7[%mul3A_116] : memref<10000xi32, #tpu.memory_space<vmem>> -> memref<40xi32, #tpu.memory_space<vmem>>
          %dma_start3A_118 = arith.constant 0 : i32
          %dma_start3A_119 = arith.constant 0 : i32
          %dma_start3A_120 = tpu.memref_slice %arg2[%dma_start3A_118, %dma_start3A_119] : memref<10240x128xf32, #tpu.memory_space<hbm>> -> memref<10240x128xf32, #tpu.memory_space<hbm>>
          tpu.enqueue_indirect_dma source(%dma_start3A_120 : memref<10240x128xf32, #tpu.memory_space<hbm>>) target(%arg10 : memref<40x128xf32, #tpu.memory_space<vmem>>) offsets(%dma_start3A_117 : memref<40xi32, #tpu.memory_space<vmem>>) semaphore(%arg15 : memref<!tpu.dma_semaphore, #tpu.memory_space<semaphore_mem>>)
        } else {
        }
      } else {
      }
    }
    %scan3A_26 = arith.constant 63 : i32
    %barrier3A_27 = arith.constant 0 : index
    tpu.barrier barrier_id(%barrier3A_27)
    %mul3A_28 = arith.constant 640 : i32
    %mul3A_29 = arith.muli %arg1, %mul3A_28 : i32
    %mul3A_30 = arith.constant 640 : i32
    %mul3A_31 = arith.muli %arg1, %mul3A_30 : i32
    "tpu.region"() ({
      %run_scoped3A = tpu.sem_alloc : memref<!tpu.dma_semaphore, #tpu.memory_space<semaphore_mem>>
      %dma_start3A_32 = arith.constant 0 : i32
      %dma_start3A_33 = tpu.memref_slice %arg6[%arg0, %mul3A_31, %dma_start3A_32] : memref<2x10240x128xf32, #tpu.memory_space<hbm>> -> memref<1x640x128xf32, #tpu.memory_space<hbm>>
      %dma_start3A_34 = tpu.memref_squeeze %dma_start3A_33 : memref<1x640x128xf32, #tpu.memory_space<hbm>> -> memref<640x128xf32, #tpu.memory_space<hbm>>
      %dma_start3A_35 = arith.constant 0 : i32
      %dma_start3A_36 = tpu.memref_slice %arg13[%mul3A_29, %dma_start3A_35] : memref<10240x128xf32, #tpu.memory_space<vmem_shared>> -> memref<640x128xf32, #tpu.memory_space<vmem_shared>>
      tpu.enqueue_dma source(%dma_start3A_36 : memref<640x128xf32, #tpu.memory_space<vmem_shared>>) target(%dma_start3A_34 : memref<640x128xf32, #tpu.memory_space<hbm>>) target_semaphore(%run_scoped3A : memref<!tpu.dma_semaphore, #tpu.memory_space<semaphore_mem>>)
      %dma_wait3A = arith.constant 0 : i32
      %dma_wait3A_37 = tpu.memref_slice %arg6[%arg0, %mul3A_31, %dma_wait3A] : memref<2x10240x128xf32, #tpu.memory_space<hbm>> -> memref<1x640x128xf32, #tpu.memory_space<hbm>>
      %dma_wait3A_38 = tpu.memref_squeeze %dma_wait3A_37 : memref<1x640x128xf32, #tpu.memory_space<hbm>> -> memref<640x128xf32, #tpu.memory_space<hbm>>
      %dma_wait3A_39 = arith.constant 0 : i32
      %dma_wait3A_40 = tpu.memref_slice %arg13[%mul3A_29, %dma_wait3A_39] : memref<10240x128xf32, #tpu.memory_space<vmem_shared>> -> memref<640x128xf32, #tpu.memory_space<vmem_shared>>
      tpu.wait_dma2 semaphore(%run_scoped3A : memref<!tpu.dma_semaphore, #tpu.memory_space<semaphore_mem>>) src(%dma_wait3A_40 : memref<640x128xf32, #tpu.memory_space<vmem_shared>>) dst(%dma_wait3A_38 : memref<640x128xf32, #tpu.memory_space<hbm>>)
      tpu.yield
    }) : () -> ()
    return
  }
}

module attributes {stable_mosaic.version = 14 : i64} {
  func.func @_fin_body(%arg0: i32, %arg1: memref<32x10240xf32, #tpu.memory_space<vmem>>, %arg2: memref<2x1024x128xf32, #tpu.memory_space<vmem>>, %arg3: memref<1024x128xf32, #tpu.memory_space<vmem>>, %arg4: memref<1x128xf32, #tpu.memory_space<vmem>>, %arg5: memref<1024x1xi32, #tpu.memory_space<vmem>>) attributes {dimension_semantics = [#tpu.dimension_semantics<arbitrary>], iteration_bounds = array<i64: 10>, scalar_prefetch = 0 : i64, scratch_operands = 0 : i64, tpu.core_type = #tpu.core_type<tc>, window_params = [{pipeline_mode = #tpu.pipeline_mode<synchronous>, transform_indices = @transform_0, window_bounds = array<i64: 32, 10240>}, {transform_indices = @transform_1, window_bounds = array<i64: 2, 1024, 128>}, {transform_indices = @transform_2, window_bounds = array<i64: 1024, 128>}, {pipeline_mode = #tpu.pipeline_mode<synchronous>, transform_indices = @transform_3, window_bounds = array<i64: 1, 128>}, {transform_indices = @transform_4, window_bounds = array<i64: 1024, 1>}]} {
    %mul3A = arith.constant 1024 : i32
    %mul3A_0 = arith.muli %arg0, %mul3A : i32
    %get3A = arith.constant 0 : index
    %get3A_1 = arith.index_cast %mul3A_0 : i32 to index
    %get3A_2 = vector.load %arg1[%get3A, %get3A_1] : memref<32x10240xf32, #tpu.memory_space<vmem>>, vector<32x1024xf32>
    %reduce_sum3A = arith.constant dense<0.000000e+00> : vector<1024xf32>
    %reduce_sum3A_3 = vector.multi_reduction <add>, %get3A_2, %reduce_sum3A [0] : vector<32x1024xf32> to vector<1024xf32>
    %add3A = arith.constant 1.000000e+00 : f32
    %add3A_4 = vector.broadcast %add3A : f32 to vector<1024xf32>
    %add3A_5 = arith.addf %reduce_sum3A_3, %add3A_4 : vector<1024xf32>
    %rsqrt3A = math.rsqrt %add3A_5 : vector<1024xf32>
    %get3A_6 = arith.constant 0 : index
    %get3A_7 = arith.constant 0 : index
    %get3A_8 = arith.constant 0 : index
    %get3A_9 = vector.load %arg2[%get3A_6, %get3A_7, %get3A_8] : memref<2x1024x128xf32, #tpu.memory_space<vmem>>, vector<2x1024x128xf32>
    %slice3A = vector.extract_strided_slice %get3A_9 {offsets = [0, 0, 0], sizes = [1, 1024, 128], strides = [1, 1, 1]} : vector<2x1024x128xf32> to vector<1x1024x128xf32>
    %squeeze3A = vector.shape_cast %slice3A : vector<1x1024x128xf32> to vector<1024x128xf32>
    %slice3A_10 = vector.extract_strided_slice %get3A_9 {offsets = [1, 0, 0], sizes = [1, 1024, 128], strides = [1, 1, 1]} : vector<2x1024x128xf32> to vector<1x1024x128xf32>
    %squeeze3A_11 = vector.shape_cast %slice3A_10 : vector<1x1024x128xf32> to vector<1024x128xf32>
    %add3A_12 = arith.addf %squeeze3A, %squeeze3A_11 : vector<1024x128xf32>
    %get3A_13 = arith.constant 0 : index
    %get3A_14 = arith.constant 0 : index
    %get3A_15 = vector.load %arg3[%get3A_13, %get3A_14] : memref<1024x128xf32, #tpu.memory_space<vmem>>, vector<1024x128xf32>
    %add3A_16 = arith.addf %add3A_12, %get3A_15 : vector<1024x128xf32>
    %broadcast_in_dim3A = vector.shape_cast %rsqrt3A : vector<1024xf32> to vector<1024x1xf32>
    %mul3A_17 = vector.broadcast %broadcast_in_dim3A : vector<1024x1xf32> to vector<1024x128xf32>
    %mul3A_18 = arith.mulf %add3A_16, %mul3A_17 : vector<1024x128xf32>
    %get3A_19 = arith.constant 0 : index
    %get3A_20 = arith.constant 0 : index
    %get3A_21 = vector.load %arg4[%get3A_19, %get3A_20] : memref<1x128xf32, #tpu.memory_space<vmem>>, vector<1x128xf32>
    %add3A_22 = vector.broadcast %get3A_21 : vector<1x128xf32> to vector<1024x128xf32>
    %add3A_23 = arith.addf %mul3A_18, %add3A_22 : vector<1024x128xf32>
    %max3A = arith.constant 0.000000e+00 : f32
    %max3A_24 = vector.broadcast %max3A : f32 to vector<1024x128xf32>
    %max3A_25 = arith.maximumf %add3A_23, %max3A_24 : vector<1024x128xf32>
    %reduce_max3A = arith.constant dense<0xFF800000> : vector<1024xf32>
    %reduce_max3A_26 = vector.multi_reduction <maximumf>, %max3A_25, %reduce_max3A [1] : vector<1024x128xf32> to vector<1024xf32>
    %broadcast_in_dim3A_27 = vector.shape_cast %reduce_max3A_26 : vector<1024xf32> to vector<1024x1xf32>
    %iota3A = tpu.iota {dimensions = array<i32: 1>} : vector<1024x128xi32>
    %ge3A = vector.broadcast %broadcast_in_dim3A_27 : vector<1024x1xf32> to vector<1024x128xf32>
    %ge3A_28 = arith.cmpf oge, %max3A_25, %ge3A : vector<1024x128xf32>
    %jit3A = arith.constant 128 : i32
    %broadcast_in_dim3A_29 = vector.broadcast %jit3A : i32 to vector<1024x128xi32>
    %select_n3A = arith.select %ge3A_28, %iota3A, %broadcast_in_dim3A_29 : vector<1024x128xi1>, vector<1024x128xi32>
    %reduce_min3A = arith.constant dense<2147483647> : vector<1024xi32>
    %reduce_min3A_30 = vector.multi_reduction <minsi>, %select_n3A, %reduce_min3A [1] : vector<1024x128xi32> to vector<1024xi32>
    %broadcast_in_dim3A_31 = vector.shape_cast %reduce_min3A_30 : vector<1024xi32> to vector<1024x1xi32>
    %swap3A = arith.constant 0 : index
    %swap3A_32 = arith.constant 0 : index
    %swap3A_33 = vector.load %arg5[%swap3A, %swap3A_32] : memref<1024x1xi32, #tpu.memory_space<vmem>>, vector<1024x1xi32>
    tpu.vector_store %arg5[%swap3A, %swap3A_32], %broadcast_in_dim3A_31 {strides = array<i32>} : memref<1024x1xi32, #tpu.memory_space<vmem>>, vector<1024x1xi32>,
    return
  }
  func.func @transform_0(%arg0: i32) -> (i32, i32) {
    %c0_i32 = arith.constant 0 : i32
    %c0_i32_0 = arith.constant 0 : i32
    %c0_i32_1 = arith.constant 0 : i32
    return %c0_i32, %c0_i32_0 : i32, i32
  }
  func.func @transform_1(%arg0: i32) -> (i32, i32, i32) {
    %c0_i32 = arith.constant 0 : i32
    %c0_i32_0 = arith.constant 0 : i32
    %c0_i32_1 = arith.constant 0 : i32
    return %c0_i32, %arg0, %c0_i32_0 : i32, i32, i32
  }
  func.func @transform_2(%arg0: i32) -> (i32, i32) {
    %c0_i32 = arith.constant 0 : i32
    %c0_i32_0 = arith.constant 0 : i32
    return %arg0, %c0_i32 : i32, i32
  }
  func.func @transform_3(%arg0: i32) -> (i32, i32) {
    %c0_i32 = arith.constant 0 : i32
    %c0_i32_0 = arith.constant 0 : i32
    %c0_i32_1 = arith.constant 0 : i32
    return %c0_i32, %c0_i32_0 : i32, i32
  }
  func.func @transform_4(%arg0: i32) -> (i32, i32) {
    %c0_i32 = arith.constant 0 : i32
    %c0_i32_0 = arith.constant 0 : i32
    return %arg0, %c0_i32 : i32, i32
  }
}

module attributes {stable_mosaic.version = 14 : i64} {
  func.func @_mm_body(%arg0: i32, %arg1: memref<32x10240xf32, #tpu.memory_space<vmem>>, %arg2: memref<1024x128xf32, #tpu.memory_space<vmem>>, %arg3: memref<128x128xf32, #tpu.memory_space<vmem>>, %arg4: memref<1024x128xf32, #tpu.memory_space<vmem>>) attributes {dimension_semantics = [#tpu.dimension_semantics<arbitrary>], iteration_bounds = array<i64: 10>, scalar_prefetch = 0 : i64, scratch_operands = 0 : i64, tpu.core_type = #tpu.core_type<tc>, window_params = [{pipeline_mode = #tpu.pipeline_mode<synchronous>, transform_indices = @transform_0, window_bounds = array<i64: 32, 10240>}, {transform_indices = @transform_1, window_bounds = array<i64: 1024, 128>}, {pipeline_mode = #tpu.pipeline_mode<synchronous>, transform_indices = @transform_2, window_bounds = array<i64: 128, 128>}, {transform_indices = @transform_3, window_bounds = array<i64: 1024, 128>}]} {
    %mul3A = arith.constant 1024 : i32
    %mul3A_0 = arith.muli %arg0, %mul3A : i32
    %get3A = arith.constant 0 : index
    %get3A_1 = arith.index_cast %mul3A_0 : i32 to index
    %get3A_2 = vector.load %arg1[%get3A, %get3A_1] : memref<32x10240xf32, #tpu.memory_space<vmem>>, vector<32x1024xf32>
    %reduce_sum3A = arith.constant dense<0.000000e+00> : vector<1024xf32>
    %reduce_sum3A_3 = vector.multi_reduction <add>, %get3A_2, %reduce_sum3A [0] : vector<32x1024xf32> to vector<1024xf32>
    %add3A = arith.constant 1.000000e+00 : f32
    %add3A_4 = vector.broadcast %add3A : f32 to vector<1024xf32>
    %add3A_5 = arith.addf %reduce_sum3A_3, %add3A_4 : vector<1024xf32>
    %rsqrt3A = math.rsqrt %add3A_5 : vector<1024xf32>
    %get3A_6 = arith.constant 0 : index
    %get3A_7 = arith.constant 0 : index
    %get3A_8 = vector.load %arg2[%get3A_6, %get3A_7] : memref<1024x128xf32, #tpu.memory_space<vmem>>, vector<1024x128xf32>
    %get3A_9 = arith.constant 0 : index
    %get3A_10 = arith.constant 0 : index
    %get3A_11 = vector.load %arg3[%get3A_9, %get3A_10] : memref<128x128xf32, #tpu.memory_space<vmem>>, vector<128x128xf32>
    %dot_general3A = arith.constant dense<0.000000e+00> : vector<1024x128xf32>
    %dot_general3A_12 = tpu.matmul %get3A_8, %get3A_11, %dot_general3A {dimension_numbers = #tpu.dot_dimension_numbers<[1], [0], [0], [1], [0, 0, 1, 1], [], []>, transpose_lhs_hint = false} : vector<1024x128xf32>, vector<128x128xf32>, vector<1024x128xf32> -> vector<1024x128xf32>
    %broadcast_in_dim3A = vector.shape_cast %rsqrt3A : vector<1024xf32> to vector<1024x1xf32>
    %mul3A_13 = vector.broadcast %broadcast_in_dim3A : vector<1024x1xf32> to vector<1024x128xf32>
    %mul3A_14 = arith.mulf %dot_general3A_12, %mul3A_13 : vector<1024x128xf32>
    %swap3A = arith.constant 0 : index
    %swap3A_15 = arith.constant 0 : index
    %swap3A_16 = vector.load %arg4[%swap3A, %swap3A_15] : memref<1024x128xf32, #tpu.memory_space<vmem>>, vector<1024x128xf32>
    tpu.vector_store %arg4[%swap3A, %swap3A_15], %mul3A_14 {strides = array<i32>} : memref<1024x128xf32, #tpu.memory_space<vmem>>, vector<1024x128xf32>,
    return
  }
  func.func @transform_0(%arg0: i32) -> (i32, i32) {
    %c0_i32 = arith.constant 0 : i32
    %c0_i32_0 = arith.constant 0 : i32
    %c0_i32_1 = arith.constant 0 : i32
    return %c0_i32, %c0_i32_0 : i32, i32
  }
  func.func @transform_1(%arg0: i32) -> (i32, i32) {
    %c0_i32 = arith.constant 0 : i32
    %c0_i32_0 = arith.constant 0 : i32
    return %arg0, %c0_i32 : i32, i32
  }
  func.func @transform_2(%arg0: i32) -> (i32, i32) {
    %c0_i32 = arith.constant 0 : i32
    %c0_i32_0 = arith.constant 0 : i32
    %c0_i32_1 = arith.constant 0 : i32
    return %c0_i32, %c0_i32_0 : i32, i32
  }
  func.func @transform_3(%arg0: i32) -> (i32, i32) {
    %c0_i32 = arith.constant 0 : i32
    %c0_i32_0 = arith.constant 0 : i32
    return %arg0, %c0_i32 : i32, i32
  }
}

</mosaic_0001>

<sc_bundles>
// kernel: kernel.6.cloned.1.call-start
scs
__scs_entry_jumppad:
0x0: {  	(pc) =	sbr.rel $0x88, $3  }
0x1: {  	(tag) =	ssettag $0x0;
	lr =	simm.s32 $0x1  }
0x2: {  	[smem:$0x3F9D] =	sst lr;
	_ =	strace $0xD0000000  }
0x3: {  	_ = 	snop  }
0x4: {  	_ = 	snop  }
0x5: {  	_ = 	snop  }
0x6: {  	_ = 	snop  }
0x7: {  	_ = 	snop  }
__scs_overlays_trampoline_lowered:
0x8: {  	[smem:$0x3FAC] =	sst s0  }
0x9: {  	[smem:$0x3FAD] =	sst s1  }
0xa: {  	[smem:$0x3FAE] =	sst s2  }
0xb: {  	[smem:$0x3FAF] =	sst s3  }
0xc: {  	[smem:$0x3FB0] =	sst s4  }
0xd: {  	[smem:$0x3FB1] =	sst s5  }
0xe: {  	[smem:$0x3FB2] =	sst s6  }
0xf: {  	[smem:$0x3FB3] =	sst s7  }
0x10: {  	[smem:$0x3FB4] =	sst s8  }
0x11: {  	[smem:$0x3FB5] =	sst s9;
	s0 =	simm.s32 @!p0 $0x0  }
0x12: {  	s1 =	sld [smem:$0x3F9B];
	s0 =	simm.s32 @p0 $0x1  }
0x13: {  	[smem:$0x3FB6] =	sst s0;
	s0 =	simm.s32 @!p1 $0x0  }
0x14: {  	s2 =	sld [smem:$0x3F9A];
	s0 =	simm.s32 @p1 $0x1  }
0x15: {  	[smem:$0x3FB7] =	sst s0;
	s0 =	simm.s32 @!p2 $0x0  }
0x16: {  	s3 =	sld [smem:$0x3FDB];
	s0 =	simm.s32 @p2 $0x1  }
0x17: {  	s4 =	simm.s32 $0x1BF5;
	[smem:$0x3FB9] =	sst s0  }
0x18: {  	s0 =	sld [smem:$0x3F9C];
	_ =	swait.ge [sflag:s4], $0x0  }
0x19: {  	s7 =	sld [smem:$0x3F9D]  }
0x1a: {  	s8 =	sadd.s32 $0xFFFFE003, lr  }
0x1b: {  	s9 =	sadd.s32 $0xFFFFFEF7, lr;
	s5 =	simm.s32 $0xFFFFFFFF;
	p2 =	slt.u32 s8, $0xFFFFF086  }
0x1c: {  	p1 =	slt.u32 s9, $0xF7A;
	s5 =	simm.s32 @!p2 $0x0  }
0x1d: {  	s5 =	simm.s32 @p1 $0x1;
	p0 =	seq.s32 s7, s2  }
0x1e: {  	s7 =	smul.u32 @!p0 $0xF7A, s2;
	p2 =	seq.s32 @!p0 s5, $0x0  }
0x1f: {  	s9 =	smul.u32 $0xF7A, s1;
	s8 =	simm.s32 @!p0 $0x1BF5;
	p2 =	por !p2, p0  }
0x20: {  	[sflag:s8] =	ssyncset.s32 @!p0 $0xFFFFF086;
	s6 =	sadd.s32 @!p0 s3, s7;
	s7 =	simm.s32 @!p0 $0x108  }
0x21: {  	s3 =	sadd.s32 s3, s9;
	s6 =	sadd.s32 @!p0 $0x88, s6;
	s7 =	simm.s32 @p2 $0x1082  }
0x22: {  	[simem:s7], [sflag:s8] =	dma.local @!p0 [hbm:s6], $0xF7A  }
0x23: {  	s9 =	sor.u32 $0xD0000000, s2;
	s6 =	simm.s32 $0x108;
	_ =	swait.ge @!p0 [sflag:s8], $0x0  }
0x24: {  	s3 =	sadd.s32 $0x88, s3;
	s6 =	simm.s32 @!p1 $0x1082;
	[sflag:s4] =	ssyncset.s32 $0xFFFFF086  }
0x25: {  	[simem:s6], [sflag:s4] =	dma.local [hbm:s3], $0xF7A  }
0x26: {  	[smem:$0x3F9D] =	sst s1;
	(tag) =	ssettag s2;
	_ =	strace s9  }
0x27: {  	s1 =	sld [smem:$0x3FAD]  }
0x28: {  	s2 =	sld [smem:$0x3FAE]  }
0x29: {  	s4 =	sld [smem:$0x3FB0]  }
0x2a: {  	p0 =	seq.s32 s5, $0x0;
	s5 =	sld [smem:$0x3FB1]  }
0x2b: {  	s6 =	sld [smem:$0x3FB2]  }
0x2c: {  	s7 =	sld [smem:$0x3FB3]  }
0x2d: {  	s3 =	simm.s32 $0x108;
	s8 =	sld [smem:$0x3FB4]  }
0x2e: {  	s3 =	simm.s32 @!p0 $0x1082;
	s9 =	sld [smem:$0x3FB5]  }
0x2f: {  	lr =	sadd.s32 s0, s3;
	s0 =	sld [smem:$0x3FAC]  }
0x30: {  	s3 =	sld [smem:$0x3FAF]  }
0x31: {  	[smem:$0x3FB8] =	sst s10  }
0x32: {  	s10 =	sld [smem:$0x3FB6];
	_ =	sdelay $0x3  }
0x33: {  	p0 =	seq.s32 s10, $0x1;
	s10 =	sld [smem:$0x3FB8];
	_ =	sdelay $0x3  }
0x34: {  	[smem:$0x3FB8] =	sst s10  }
0x35: {  	s10 =	sld [smem:$0x3FB7];
	_ =	sdelay $0x3  }
0x36: {  	p1 =	seq.s32 s10, $0x1;
	s10 =	sld [smem:$0x3FB8];
	_ =	sdelay $0x3  }
0x37: {  	[smem:$0x3FB8] =	sst s10  }
0x38: {  	s10 =	sld [smem:$0x3FB9]  }
0x39: {  	_ = 	snop;
	(pc) =	sbr.ind lr, $3  }
0x3a: {  	_ = 	snop  }
0x3b: {  	_ = 	snop  }
0x3c: {  	p2 =	seq.s32 s10, $0x1;
	s10 =	sld [smem:$0x3FB8]  }
0x3d: {  	_ =	shalt  }
0x3e: {  	_ =	shalt  }
0x3f: {  	_ =	shalt  }
0x40: {  	_ =	shalt  }
0x41: {  	_ =	shalt  }
0x42: {  	_ =	shalt  }
0x43: {  	_ =	shalt  }
0x44: {  	_ =	shalt  }
0x45: {  	_ =	shalt  }
0x46: {  	_ =	shalt  }
0x47: {  	_ =	shalt  }
0x48: {  	_ =	shalt  }
0x49: {  	_ =	shalt  }
0x4a: {  	_ =	shalt  }
0x4b: {  	_ =	shalt  }
0x4c: {  	_ =	shalt  }
0x4d: {  	_ =	shalt  }
0x4e: {  	_ =	shalt  }
0x4f: {  	_ =	shalt  }
0x50: {  	_ =	shalt  }
0x51: {  	_ =	shalt  }
0x52: {  	_ =	shalt  }
0x53: {  	_ =	shalt  }
0x54: {  	_ =	shalt  }
0x55: {  	_ =	shalt  }
0x56: {  	_ =	shalt  }
0x57: {  	_ =	shalt  }
0x58: {  	_ =	shalt  }
0x59: {  	_ =	shalt  }
0x5a: {  	_ =	shalt  }
0x5b: {  	_ =	shalt  }
0x5c: {  	_ =	shalt  }
0x5d: {  	_ =	shalt  }
0x5e: {  	_ =	shalt  }
0x5f: {  	_ =	shalt  }
0x60: {  	_ =	shalt  }
0x61: {  	_ =	shalt  }
0x62: {  	_ =	shalt  }
0x63: {  	_ =	shalt  }
0x64: {  	_ =	shalt  }
0x65: {  	_ =	shalt  }
0x66: {  	_ =	shalt  }
0x67: {  	_ =	shalt  }
0x68: {  	_ =	shalt  }
0x69: {  	_ =	shalt  }
0x6a: {  	_ =	shalt  }
0x6b: {  	_ =	shalt  }
0x6c: {  	_ =	shalt  }
0x6d: {  	_ =	shalt  }
0x6e: {  	_ =	shalt  }
0x6f: {  	_ =	shalt  }
0x70: {  	_ =	shalt  }
0x71: {  	_ =	shalt  }
0x72: {  	_ =	shalt  }
0x73: {  	_ =	shalt  }
0x74: {  	_ =	shalt  }
0x75: {  	_ =	shalt  }
0x76: {  	_ =	shalt  }
0x77: {  	_ =	shalt  }
0x78: {  	_ =	shalt  }
0x79: {  	_ =	shalt  }
0x7a: {  	_ =	shalt  }
0x7b: {  	_ =	shalt  }
0x7c: {  	_ =	shalt  }
0x7d: {  	_ =	shalt  }
0x7e: {  	_ =	shalt  }
0x7f: {  	_ =	shalt  }
0x80: {  	_ =	shalt  }
0x81: {  	_ =	shalt  }
0x82: {  	_ =	shalt  }
0x83: {  	_ =	shalt  }
0x84: {  	_ =	shalt  }
0x85: {  	_ =	shalt  }
0x86: {  	_ =	shalt  }
0x87: {  	_ =	shalt  }
.Lfunc_end0:
.L_simem_size_0:
called_computation_lowered:
.L_overlay_start_0:
0x88: {  	s2 =	sld [smem:$0x3FD9]  }
0x89: {  	s3 =	sld [smem:$0x3FFE];
	_ =	sdelay $0x1  }
0x8a: {  	s1 =	srdreg.scid  }
0x8b: {  	s0 =	sand.u32 $0x1, s1  }
0x8c: {  	s16 =	sshll.u32 s0, $0xA;
	s2 =	sadd.s32 s3, s2  }
0x8d: {  	s2 =	sadd.s32 s2, s16  }
0x8e: {  	[smem:$0x3FC4] =	sst s2  }
0x8f: {  	_ = 	snop  }
0x90: {  	(tm) =	ssettm $0x1  }
0x91: {  	s17 =	sld [smem:$0x3FFB];
	_ =	sdelay $0x3  }
0x92: {  	_ =	strace s17  }
0x93: {  	s2 =	sld [smem:$0x3FFC];
	_ =	sdelay $0x3  }
0x94: {  	_ =	strace s2  }
0x95: {  	s2 =	sld [smem:$0x3FFD];
	_ =	sdelay $0x3  }
0x96: {  	_ =	strace s2  }
0x97: {  	_ =	strace $0x8FFFFFFF  }
0x98: {  	s18 =	sld [smem:$0x3FDB];
	_ =	sdelay $0x1  }
0x99: {  	s19 =	simm.s32 $_scs_section_size  }
0x9a: {  	s4 =	simm.s32 $_size__tile_overlayer_lowered;
	s5 =	simm.s32 $_tile_overlayer_lowered  }
0x9b: {  	s22 =	simm.s32 $0x1BFF;
	s21 =	sshll.u32 s5, $0x1;
	s2 =	sadd.s32 s19, s18  }
0x9c: {  	s6 =	simm.s32 $0x0;
	s20 =	sshll.u32 s4, $0x1;
	s4 =	sadd.s32 s21, s2  }
0x9d: {  	[timem:s6], [sflag:s22] =	dma.local [hbm:s4], s20  }
0x9e: {  	_ =	swait.ge [sflag:s22], s20  }
0x9f: {  	s3 =	ssub.s32 $0x0, s20;
	[sflag:s22] =	ssyncset.done $0x0  }
0xa0: {  	[sflag:s22] =	ssyncadd.s32 s3;
	_ =	sdelay $0x1  }
0xa1: {  	s23 =	simm.s32 $0x1B8B  }
0xa2: {  	_ =	swait.ge [sflag:s23], $0x1  }
0xa3: {  	[sflag:s23] =	ssyncset.done $0x0  }
0xa4: {  	s25 =	simm.s32 $0x1B8E;
	s24 =	sld [smem:$0x3FFE];
	[sflag:s23] =	ssyncadd.s32 $0xFFFFFFFF  }
0xa5: {  	s26 =	simm.s32 $execute0_lowered;
	[smem:$0x3FD2] =	sst s25  }
0xa6: {  	s4 =	sshll.u32 s26, $0x1;
	_ =	strace $0x80000046;
	[dreg:$0x1] =	wrdreg $0xFFFFFFFF  }
0xa7: {  	s28 =	simm.s32 $_size_execute0_lowered;
	s2 =	sadd.s32 s2, s4;
	[dreg:$0x0] =	wrdreg $0x0  }
0xa8: {  	s4 =	sshll.u32 s28, $0x1;
	[dreg:$0x2] =	wrdreg s2  }
0xa9: {  	[dreg:$0x3] =	wrdreg s4  }
0xaa: {  	[dreg:$0x4] =	wrdreg $0xC0  }
0xab: {  	_ =	task [dreg:s6], $0x5FFFF  }
0xac: {  	[dreg:$0x1] =	wrdreg $0xFFFFFFFF  }
0xad: {  	[dreg:$0x0] =	wrdreg $0x60  }
0xae: {  	[dreg:$0x2] =	wrdreg s24  }
0xaf: {  	[dreg:$0x3] =	wrdreg $0x9  }
0xb0: {  	_ =	task.clear_ibuf [dreg:s6], $0x4FFFF;
	_ =	strace $0x90000046  }
0xb1: {  	s29 =	simm.s32 $0x9;
	_ =	strace $0x80000048  }
0xb2: {  	_ =	swait.ge [sflag:s29], $0x1  }
0xb3: {  	[sflag:s29] =	ssyncadd.s32 $0xFFFFFFFF  }
0xb4: {  	_ =	strace $0x90000048  }
0xb5: {  	_ =	sfence  }
0xb6: {  	s30 =	sld [smem:$0x0];
	_ =	sdelay $0x2  }
0xb7: {  	s31 =	sshll.u32 s1, $0xD;
	s1 =	sshrl.u32 s1, $0x2  }
0xb8: {  	s3 =	sand.u32 $0x4000, s31;
	s1 =	sadd.s32 s1, s30  }
0xb9: {  	s0 =	sor.u32 s3, s0;
	s1 =	sshll.u32 s1, $0x11  }
0xba: {  	s0 =	sor.u32 s1, s0  }
0xbb: {  	s0 =	sadd.s32 $0x8F2B, s0  }
0xbc: {  	[sflag:s0] =	ssyncadd.remote.s32 $0x1  }
0xbd: {  	_ =	sfence.sel $0xFFFF  }
0xbe: {  	[dreg:$0x0] =	wrdreg $0xFFFFFFFF;
	(pc) =	sbr.abs _section_cstart, $3  }
0xbf: {  	[dreg:$0x1] =	wrdreg $0xFFFFFFFF  }
0xc0: {  	_ =	task.clear_ibuf [dreg:s6], $0x2FFFF;
	_ =	strace $0x9FFFFFFF  }
0xc1: {  	(tm) =	ssettm $0x7FFFFFFF  }
tec
execute0_lowered:
.L_overlay_start_1:
0x0: {  	(tag) =	ssettag $0x1  }
0x1: {  	s0 =	srdreg.scid  }
0x2: {  	s3 =	sand.u32 $0x1, s0  }
0x3: {  	s4 =	rddreg [dreg:$0x0];
	s0 =	stileid.u32;
	s1 =	sshll.u32 s3, $0x4  }
0x4: {  	s2 =	simm.s32 $0x0;
	s8 =	simm.s32 $0x1;
	s1 =	sor.u32 s0, s1  }
0x5: {  	s9 =	simm.s32 $0x2780;
	s10 =	simm.s32 $0x0;
	s5 =	sshrl.u32 s1, $0x3  }
0x6: {  	[smem:$0x7FF] =	sst s2;
	s7 =	sshll.u32 s0, $0x7;
	s6 =	smul.u32 $0x13C00, s5  }
0x7: {  	s3 =	ssub.s32 $0x2, s3;
	s7 =	sand.u32 $0x380, s7;
	s5 =	smul.u32 $0x14000, s5  }
0x8: {  	s31 =	sshrl.u32 s3, $0x1;
	s1 =	rddreg [dreg:$0x1];
	s6 =	sor.u32 s7, s6  }
0x9: {  	_ =	strace $0x80000047;
	s5 =	sor.u32 s7, s5;
	s6 =	sshrl.u32 s6, $0x3  }
0xa: {  	s7 =	simm.s32 $0x400;
	s5 =	sshrl.u32 s5, $0x3;
	s6 =	sadd.s32 s6, s4  }
0xb: {  	s4 =	sadd.s32 s5, s4;
	s5 =	ssub.s32 s3, s31;
	s3 =	sadd.s32 $0x1400, s6  }
0xc: {  	v0 =	vimm.f32 $0.0e+00;
	v1 =	vimm.f32 $1.000000000e+00;
	s4 =	sadd.s32 $0xB200, s4;
	s5 =	smax.u32 s5, $0x1;
	s6 =	simm.s32 $0x80  }
.LBB2_1:
0xd: {  	[tilespmem:s2], [sflag:$0x1] =	stream.strided.gather [hbm4b:s3+s6], $0x2780, s7, s6, $0x38;
	[tilespmem:$0x4F80] =	vst v63  }
0xe: {  	_ =	swait.ge [sflag:s8], $0x2780  }
0xf: {  	[sflag:s8] =	ssyncset.done $0x0  }
0x10: {  	s11 =	simm.s32 $0x0;
	[sflag:s8] =	ssyncadd.s32 $0xFFFFD880  }
.LBB2_2:
0x11: {  	p0 =	sne.s32 s11, $0x9FC0  }
.Ltmp0:
0x12: {  	_ = 	snop;
	(pc) =	sbr.rel @p0 .LBB2_2-.Ltmp0, $3  }
0x13: {  	_ =	sdelay $0x1  }
0x14: {  	s12 =	sshra.s32 s11, $0x2  }
0x15: {  	s11 =	sadd.s32 $0x40, s11;
	[tilespmem:s12+$0x2780] =	vst v0  }
0x16: {  	s12 =	simm.s32 $0x0;
	s11 =	simm.s32 $0x40  }
.LBB2_4:
0x17: {  	p0 =	sne.s32 s11, $0x9C00;
	v2 =	vld [tilespmem:s12+$0x0];
	_ =	sdelay $0x3  }
.Ltmp1:
0x18: {  	(pc) =	sbr.rel @p0 .LBB2_4-.Ltmp1, $2  }
0x19: {  	_ =	sdelay $0x2  }
0x1a: {  	s12 =	sshra.s32 s11, $0x2;
	s11 =	sadd.s32 $0x40, s11;
	[tilespmem:v2+s9+$0x0] =	vst.idx.add.f32.msk $0xffff, v1  }
0x1b: {  	v2 =	vld [tilespmem:s12+$0x0];
	_ =	sdelay $0x5  }
0x1c: {  	s10 =	sadd.s32 $0x1, s10  }
0x1d: {  	p0 =	sne.s32 s10, s5  }
.Ltmp2:
0x1e: {  	[tilespmem:v2+s9+$0x0] =	vst.idx.add.f32.msk $0xffff, v1;
	(pc) =	sbr.rel @p0 .LBB2_1-.Ltmp2, $4  }
0x1f: {  	[hbm4b:s4+s6] =	stream.strided.scatter [tilespmem:s9], [sflag:$0x1], $0x2800, s7, s6, $0x38;
	[tilespmem:$0x4F80] =	vst v63  }
0x20: {  	_ =	swait.ge [sflag:s8], $0x2800  }
0x21: {  	[sflag:s8] =	ssyncset.done $0x0  }
0x22: {  	[sflag:s8] =	ssyncadd.s32 $0xFFFFD800  }
0x23: {  	_ =	sfence.sel $0x180000  }
0x24: {  	[bflag:$0x0] =	sbarrier.arrive $0xFFFF  }
0x25: {  	p0 =	sne.s32 s0, $0x0;
	_ =	strace $0x90000047  }
0x26: {  	s0 =	sadd.s32 @!p0 $0x100000, s1;
	[bflag:$0x2] =	sbarrier.arrive $0xFFFF  }
0x27: {  	[sflag:s0] =	ssyncadd.tile.s32 @!p0 $0x1;
	_ =	shalt  }
.Lfunc_end2:
_tile_overlayer_lowered:
.L_overlay_start_2:
0x28: {  	(tag) =	ssettag $0x2  }
0x29: {  	s0 =	rddreg [dreg:$0x0];
	s2 =	stileid.u32  }
0x2a: {  	s1 =	rddreg [dreg:$0x1];
	p0 =	sne.s32 s2, $0x0  }
0x2b: {  	s3 =	rddreg [dreg:$0x2];
	[bflag:$0x3] =	sbarrier.arrive $0xFFFF;
	s2 =	simm.s32 @!p0 $0x1C01  }
0x2c: {  	[timem:s3], [sflag:s2] =	dma.local @!p0 [hbm:s0], s1  }
0x2d: {  	s0 =	simm.s32 @!p0 $0x1  }
0x2e: {  	_ =	swait.ge @!p0 [sflag:s0], s1  }
0x2f: {  	s1 =	ssub.s32 @!p0 $0x0, s1;
	[sflag:s0] =	ssyncset.done @!p0 $0x0  }
0x30: {  	[sflag:s0] =	ssyncadd.s32 @!p0 s1  }
0x31: {  	[bflag:$0x3] =	sbarrier.arrive $0xFFFF  }
0x32: {  	_ =	shalt  }

// kernel: kernel.9.cloned.1.call-start
scs
__scs_entry_jumppad:
0x0: {  	(pc) =	sbr.rel $0x88, $3  }
0x1: {  	(tag) =	ssettag $0x0;
	lr =	simm.s32 $0x1  }
0x2: {  	[smem:$0x3F9D] =	sst lr;
	_ =	strace $0xD0000000  }
0x3: {  	_ = 	snop  }
0x4: {  	_ = 	snop  }
0x5: {  	_ = 	snop  }
0x6: {  	_ = 	snop  }
0x7: {  	_ = 	snop  }
__scs_overlays_trampoline_lowered:
0x8: {  	[smem:$0x3FAC] =	sst s0  }
0x9: {  	[smem:$0x3FAD] =	sst s1  }
0xa: {  	[smem:$0x3FAE] =	sst s2  }
0xb: {  	[smem:$0x3FAF] =	sst s3  }
0xc: {  	[smem:$0x3FB0] =	sst s4  }
0xd: {  	[smem:$0x3FB1] =	sst s5  }
0xe: {  	[smem:$0x3FB2] =	sst s6  }
0xf: {  	[smem:$0x3FB3] =	sst s7  }
0x10: {  	[smem:$0x3FB4] =	sst s8  }
0x11: {  	[smem:$0x3FB5] =	sst s9;
	s0 =	simm.s32 @!p0 $0x0  }
0x12: {  	s1 =	sld [smem:$0x3F9B];
	s0 =	simm.s32 @p0 $0x1  }
0x13: {  	[smem:$0x3FB6] =	sst s0;
	s0 =	simm.s32 @!p1 $0x0  }
0x14: {  	s2 =	sld [smem:$0x3F9A];
	s0 =	simm.s32 @p1 $0x1  }
0x15: {  	[smem:$0x3FB7] =	sst s0;
	s0 =	simm.s32 @!p2 $0x0  }
0x16: {  	s3 =	sld [smem:$0x3FDB];
	s0 =	simm.s32 @p2 $0x1  }
0x17: {  	s4 =	simm.s32 $0x1BF5;
	[smem:$0x3FB9] =	sst s0  }
0x18: {  	s0 =	sld [smem:$0x3F9C];
	_ =	swait.ge [sflag:s4], $0x0  }
0x19: {  	s7 =	sld [smem:$0x3F9D]  }
0x1a: {  	s8 =	sadd.s32 $0xFFFFE003, lr  }
0x1b: {  	s9 =	sadd.s32 $0xFFFFFEF7, lr;
	s5 =	simm.s32 $0xFFFFFFFF;
	p2 =	slt.u32 s8, $0xFFFFF086  }
0x1c: {  	p1 =	slt.u32 s9, $0xF7A;
	s5 =	simm.s32 @!p2 $0x0  }
0x1d: {  	s5 =	simm.s32 @p1 $0x1;
	p0 =	seq.s32 s7, s2  }
0x1e: {  	s7 =	smul.u32 @!p0 $0xF7A, s2;
	p2 =	seq.s32 @!p0 s5, $0x0  }
0x1f: {  	s9 =	smul.u32 $0xF7A, s1;
	s8 =	simm.s32 @!p0 $0x1BF5;
	p2 =	por !p2, p0  }
0x20: {  	[sflag:s8] =	ssyncset.s32 @!p0 $0xFFFFF086;
	s6 =	sadd.s32 @!p0 s3, s7;
	s7 =	simm.s32 @!p0 $0x108  }
0x21: {  	s3 =	sadd.s32 s3, s9;
	s6 =	sadd.s32 @!p0 $0x88, s6;
	s7 =	simm.s32 @p2 $0x1082  }
0x22: {  	[simem:s7], [sflag:s8] =	dma.local @!p0 [hbm:s6], $0xF7A  }
0x23: {  	s9 =	sor.u32 $0xD0000000, s2;
	s6 =	simm.s32 $0x108;
	_ =	swait.ge @!p0 [sflag:s8], $0x0  }
0x24: {  	s3 =	sadd.s32 $0x88, s3;
	s6 =	simm.s32 @!p1 $0x1082;
	[sflag:s4] =	ssyncset.s32 $0xFFFFF086  }
0x25: {  	[simem:s6], [sflag:s4] =	dma.local [hbm:s3], $0xF7A  }
0x26: {  	[smem:$0x3F9D] =	sst s1;
	(tag) =	ssettag s2;
	_ =	strace s9  }
0x27: {  	s1 =	sld [smem:$0x3FAD]  }
0x28: {  	s2 =	sld [smem:$0x3FAE]  }
0x29: {  	s4 =	sld [smem:$0x3FB0]  }
0x2a: {  	p0 =	seq.s32 s5, $0x0;
	s5 =	sld [smem:$0x3FB1]  }
0x2b: {  	s6 =	sld [smem:$0x3FB2]  }
0x2c: {  	s7 =	sld [smem:$0x3FB3]  }
0x2d: {  	s3 =	simm.s32 $0x108;
	s8 =	sld [smem:$0x3FB4]  }
0x2e: {  	s3 =	simm.s32 @!p0 $0x1082;
	s9 =	sld [smem:$0x3FB5]  }
0x2f: {  	lr =	sadd.s32 s0, s3;
	s0 =	sld [smem:$0x3FAC]  }
0x30: {  	s3 =	sld [smem:$0x3FAF]  }
0x31: {  	[smem:$0x3FB8] =	sst s10  }
0x32: {  	s10 =	sld [smem:$0x3FB6];
	_ =	sdelay $0x3  }
0x33: {  	p0 =	seq.s32 s10, $0x1;
	s10 =	sld [smem:$0x3FB8];
	_ =	sdelay $0x3  }
0x34: {  	[smem:$0x3FB8] =	sst s10  }
0x35: {  	s10 =	sld [smem:$0x3FB7];
	_ =	sdelay $0x3  }
0x36: {  	p1 =	seq.s32 s10, $0x1;
	s10 =	sld [smem:$0x3FB8];
	_ =	sdelay $0x3  }
0x37: {  	[smem:$0x3FB8] =	sst s10  }
0x38: {  	s10 =	sld [smem:$0x3FB9]  }
0x39: {  	_ = 	snop;
	(pc) =	sbr.ind lr, $3  }
0x3a: {  	_ = 	snop  }
0x3b: {  	_ = 	snop  }
0x3c: {  	p2 =	seq.s32 s10, $0x1;
	s10 =	sld [smem:$0x3FB8]  }
0x3d: {  	_ =	shalt  }
0x3e: {  	_ =	shalt  }
0x3f: {  	_ =	shalt  }
0x40: {  	_ =	shalt  }
0x41: {  	_ =	shalt  }
0x42: {  	_ =	shalt  }
0x43: {  	_ =	shalt  }
0x44: {  	_ =	shalt  }
0x45: {  	_ =	shalt  }
0x46: {  	_ =	shalt  }
0x47: {  	_ =	shalt  }
0x48: {  	_ =	shalt  }
0x49: {  	_ =	shalt  }
0x4a: {  	_ =	shalt  }
0x4b: {  	_ =	shalt  }
0x4c: {  	_ =	shalt  }
0x4d: {  	_ =	shalt  }
0x4e: {  	_ =	shalt  }
0x4f: {  	_ =	shalt  }
0x50: {  	_ =	shalt  }
0x51: {  	_ =	shalt  }
0x52: {  	_ =	shalt  }
0x53: {  	_ =	shalt  }
0x54: {  	_ =	shalt  }
0x55: {  	_ =	shalt  }
0x56: {  	_ =	shalt  }
0x57: {  	_ =	shalt  }
0x58: {  	_ =	shalt  }
0x59: {  	_ =	shalt  }
0x5a: {  	_ =	shalt  }
0x5b: {  	_ =	shalt  }
0x5c: {  	_ =	shalt  }
0x5d: {  	_ =	shalt  }
0x5e: {  	_ =	shalt  }
0x5f: {  	_ =	shalt  }
0x60: {  	_ =	shalt  }
0x61: {  	_ =	shalt  }
0x62: {  	_ =	shalt  }
0x63: {  	_ =	shalt  }
0x64: {  	_ =	shalt  }
0x65: {  	_ =	shalt  }
0x66: {  	_ =	shalt  }
0x67: {  	_ =	shalt  }
0x68: {  	_ =	shalt  }
0x69: {  	_ =	shalt  }
0x6a: {  	_ =	shalt  }
0x6b: {  	_ =	shalt  }
0x6c: {  	_ =	shalt  }
0x6d: {  	_ =	shalt  }
0x6e: {  	_ =	shalt  }
0x6f: {  	_ =	shalt  }
0x70: {  	_ =	shalt  }
0x71: {  	_ =	shalt  }
0x72: {  	_ =	shalt  }
0x73: {  	_ =	shalt  }
0x74: {  	_ =	shalt  }
0x75: {  	_ =	shalt  }
0x76: {  	_ =	shalt  }
0x77: {  	_ =	shalt  }
0x78: {  	_ =	shalt  }
0x79: {  	_ =	shalt  }
0x7a: {  	_ =	shalt  }
0x7b: {  	_ =	shalt  }
0x7c: {  	_ =	shalt  }
0x7d: {  	_ =	shalt  }
0x7e: {  	_ =	shalt  }
0x7f: {  	_ =	shalt  }
0x80: {  	_ =	shalt  }
0x81: {  	_ =	shalt  }
0x82: {  	_ =	shalt  }
0x83: {  	_ =	shalt  }
0x84: {  	_ =	shalt  }
0x85: {  	_ =	shalt  }
0x86: {  	_ =	shalt  }
0x87: {  	_ =	shalt  }
.Lfunc_end0:
.L_simem_size_0:
called_computation.1_lowered:
.L_overlay_start_0:
0x88: {  	s2 =	sld [smem:$0x3FD9]  }
0x89: {  	s3 =	sld [smem:$0x3FFE];
	_ =	sdelay $0x1  }
0x8a: {  	s1 =	srdreg.scid  }
0x8b: {  	s0 =	sand.u32 $0x1, s1  }
0x8c: {  	s16 =	sshll.u32 s0, $0xA;
	s2 =	sadd.s32 s3, s2  }
0x8d: {  	s2 =	sadd.s32 s2, s16  }
0x8e: {  	[smem:$0x3FC4] =	sst s2  }
0x8f: {  	_ = 	snop  }
0x90: {  	(tm) =	ssettm $0x1  }
0x91: {  	s17 =	sld [smem:$0x3FFB];
	_ =	sdelay $0x3  }
0x92: {  	_ =	strace s17  }
0x93: {  	s2 =	sld [smem:$0x3FFC];
	_ =	sdelay $0x3  }
0x94: {  	_ =	strace s2  }
0x95: {  	s2 =	sld [smem:$0x3FFD];
	_ =	sdelay $0x3  }
0x96: {  	_ =	strace s2  }
0x97: {  	_ =	strace $0x8FFFFFFF  }
0x98: {  	s18 =	sld [smem:$0x3FDB];
	_ =	sdelay $0x1  }
0x99: {  	s19 =	simm.s32 $_scs_section_size  }
0x9a: {  	s4 =	simm.s32 $_size__tile_overlayer_lowered;
	s5 =	simm.s32 $_tile_overlayer_lowered  }
0x9b: {  	s22 =	simm.s32 $0x1BFF;
	s21 =	sshll.u32 s5, $0x1;
	s2 =	sadd.s32 s19, s18  }
0x9c: {  	s6 =	simm.s32 $0x0;
	s20 =	sshll.u32 s4, $0x1;
	s4 =	sadd.s32 s21, s2  }
0x9d: {  	[timem:s6], [sflag:s22] =	dma.local [hbm:s4], s20  }
0x9e: {  	_ =	swait.ge [sflag:s22], s20  }
0x9f: {  	s3 =	ssub.s32 $0x0, s20;
	[sflag:s22] =	ssyncset.done $0x0  }
0xa0: {  	[sflag:s22] =	ssyncadd.s32 s3;
	_ =	sdelay $0x1  }
0xa1: {  	s23 =	simm.s32 $0x1B8B  }
0xa2: {  	_ =	swait.ge [sflag:s23], $0x1  }
0xa3: {  	[sflag:s23] =	ssyncset.done $0x0  }
0xa4: {  	s25 =	simm.s32 $0x1B8E;
	s24 =	sld [smem:$0x3FFE];
	[sflag:s23] =	ssyncadd.s32 $0xFFFFFFFF  }
0xa5: {  	s26 =	simm.s32 $execute0_lowered;
	[smem:$0x3FD2] =	sst s25  }
0xa6: {  	s4 =	sshll.u32 s26, $0x1;
	_ =	strace $0x80000049;
	[dreg:$0x1] =	wrdreg $0xFFFFFFFF  }
0xa7: {  	s28 =	simm.s32 $_size_execute0_lowered;
	s2 =	sadd.s32 s2, s4;
	[dreg:$0x0] =	wrdreg $0x0  }
0xa8: {  	s4 =	sshll.u32 s28, $0x1;
	[dreg:$0x2] =	wrdreg s2  }
0xa9: {  	[dreg:$0x3] =	wrdreg s4  }
0xaa: {  	[dreg:$0x4] =	wrdreg $0xC0  }
0xab: {  	_ =	task [dreg:s6], $0x5FFFF  }
0xac: {  	[dreg:$0x1] =	wrdreg $0xFFFFFFFF  }
0xad: {  	[dreg:$0x0] =	wrdreg $0x60  }
0xae: {  	[dreg:$0x2] =	wrdreg s24  }
0xaf: {  	[dreg:$0x3] =	wrdreg $0x9F000  }
0xb0: {  	[dreg:$0x4] =	wrdreg $0x9  }
0xb1: {  	_ =	task.clear_ibuf [dreg:s6], $0x5FFFF;
	_ =	strace $0x90000049  }
0xb2: {  	s29 =	simm.s32 $0x9;
	_ =	strace $0x8000004B  }
0xb3: {  	_ =	swait.ge [sflag:s29], $0x1  }
0xb4: {  	[sflag:s29] =	ssyncadd.s32 $0xFFFFFFFF  }
0xb5: {  	_ =	strace $0x9000004B  }
0xb6: {  	_ =	sfence  }
0xb7: {  	s30 =	sld [smem:$0x0];
	_ =	sdelay $0x2  }
0xb8: {  	s31 =	sshll.u32 s1, $0xD;
	s1 =	sshrl.u32 s1, $0x2  }
0xb9: {  	s3 =	sand.u32 $0x4000, s31;
	s1 =	sadd.s32 s1, s30  }
0xba: {  	s0 =	sor.u32 s3, s0;
	s1 =	sshll.u32 s1, $0x11  }
0xbb: {  	s0 =	sor.u32 s1, s0  }
0xbc: {  	s0 =	sadd.s32 $0x8F2B, s0  }
0xbd: {  	[sflag:s0] =	ssyncadd.remote.s32 $0x1  }
0xbe: {  	_ =	sfence.sel $0xFFFF  }
0xbf: {  	[dreg:$0x0] =	wrdreg $0xFFFFFFFF;
	(pc) =	sbr.abs _section_cstart, $3  }
0xc0: {  	[dreg:$0x1] =	wrdreg $0xFFFFFFFF  }
0xc1: {  	_ =	task.clear_ibuf [dreg:s6], $0x2FFFF;
	_ =	strace $0x9FFFFFFF  }
0xc2: {  	(tm) =	ssettm $0x7FFFFFFF  }
0xc3: {  	_ =	shalt  }
tec
execute0_lowered:
.L_overlay_start_1:
0x0: {  	(tag) =	ssettag $0x1  }
0x1: {  	s0 =	srdreg.scid;
	s6 =	rddreg [dreg:$0x0]  }
0x2: {  	s13 =	stileid.u32;
	s2 =	rddreg [dreg:$0x1];
	s23 =	simm.s32 $0x0  }
0x3: {  	s11 =	simm.s32 $0x400;
	s12 =	simm.s32 $0x9;
	s16 =	simm.s32 $0x28  }
0x4: {  	s17 =	simm.s32 $0x4F00;
	s18 =	simm.s32 $0x6300;
	s20 =	simm.s32 $0x7700  }
0x5: {  	s22 =	simm.s32 $0x8B00;
	s28 =	simm.s32 $0x6;
	s30 =	simm.s32 $0x7  }
0x6: {  	s31 =	simm.s32 $0x2;
	s0 =	sand.u32 $0x1, s0;
	s7 =	smul.u32 $0x14000, s13  }
0x7: {  	s3 =	sshll.u32 s13, $0x7;
	[smem:$0x7FF] =	sst s23;
	s8 =	smul.u32 $0x50000, s13  }
0x8: {  	s24 =	sadd.s32 $0xB200, s6;
	s29 =	sshll.u32 s13, $0x6;
	s23 =	simm.s32 $0x1  }
0x9: {  	s1 =	sshll.u32 s0, $0x4;
	s4 =	sand.u32 $0x380, s3;
	s5 =	smul.u32 $0x140000, s0  }
0xa: {  	_ =	strace $0x8000004A;
	s0 =	ssub.s32 $0x2, s0;
	s1 =	sor.u32 s13, s1  }
0xb: {  	[dreg:$0x3] =	wrdreg s24;
	s14 =	sor.u32 $0x1C09, s29;
	s1 =	sshrl.u32 s1, $0x3  }
0xc: {  	s24 =	simm.s32 $0x3;
	s9 =	sshrl.u32 s0, $0x1;
	s1 =	smul.u32 $0x13C00, s1  }
0xd: {  	s8 =	sshrl.u32 s8, $0x2;
	s13 =	simm.s32 $0x0;
	s7 =	sadd.s32 s7, s5  }
0xe: {  	s0 =	ssub.s32 s0, s9;
	s26 =	sadd.s32 s8, s2;
	s1 =	sor.u32 s4, s1  }
0xf: {  	s7 =	sshrl.u32 s7, $0x3;
	s9 =	smax.u32 s0, $0x1;
	s1 =	sshrl.u32 s1, $0x3  }
0x10: {  	s15 =	sshrl.u32 s26, $0x3;
	s26 =	simm.s32 $0x4;
	s1 =	sadd.s32 s1, s6  }
0x11: {  	s0 =	simm.s32 $0x8;
	s10 =	sadd.s32 s7, s6;
	s25 =	sadd.s32 $0x15200, s1  }
0x12: {  	s4 =	sadd.s32 $0x1F000, s6;
	s1 =	sadd.s32 $0x1400, s1;
	[dreg:$0x4] =	wrdreg s25  }
0x13: {  	s8 =	sadd.s32 $0x47000, s10;
	[dreg:$0x5] =	wrdreg s1;
	s25 =	simm.s32 $0x5  }
.LBB2_1:
0x14: {  	s1 =	simm.s32 $0x0;
	s3 =	rddreg [dreg:$0x4];
	s5 =	simm.s32 $0x80  }
0x15: {  	[tilespmem:s1], [sflag:$0x9] =	stream.strided.gather [hbm4b:s3+s5], $0x2780, s11, s5, $0x38;
	[tilespmem:$0x1DF00] =	vst v63  }
0x16: {  	_ =	swait.ge [sflag:s12], $0x2780  }
0x17: {  	[sflag:s12] =	ssyncset.done $0x0  }
0x18: {  	s6 =	simm.s32 $0x2780;
	s19 =	rddreg [dreg:$0x5];
	[sflag:s12] =	ssyncadd.s32 $0xFFFFD880  }
0x19: {  	[tilespmem:s6], [sflag:$0x9] =	stream.strided.gather [hbm4b:s19+s5], $0x2780, s11, s5, $0x38;
	[tilespmem:$0x1DF00] =	vst v63  }
0x1a: {  	_ =	swait.ge [sflag:s12], $0x2780  }
0x1b: {  	[sflag:s12] =	ssyncset.done $0x0  }
0x1c: {  	s21 =	rddreg [dreg:$0x3];
	[sflag:s12] =	ssyncadd.s32 $0xFFFFD880  }
0x1d: {  	[spmem:s15], [sflag:s14] =	dma.local [hbm:s21], $0x2800  }
0x1e: {  	_ =	swait.ge [sflag:s12], $0x2800  }
0x1f: {  	[sflag:s12] =	ssyncset.done $0x0  }
0x20: {  	[sflag:s12] =	ssyncadd.s32 $0xFFFFD800  }
0x21: {  	[tilespmem:s17], [sflag:$0x1] =	stream.indirect.gather [hbm4b:s4+s16], $0x80, s1, s16, $0xb8;
	[tilespmem:$0x1DF00] =	vst v63  }
0x22: {  	_ = 	snop  }
0x23: {  	[tilespmem:s18], [sflag:$0x2] =	stream.indirect.gather [hbm4b:s4+s16], $0x80, s16, s16, $0xb8;
	[tilespmem:$0x1DF00] =	vst v63  }
0x24: {  	s5 =	simm.s32 $0x50  }
0x25: {  	[tilespmem:s20], [sflag:$0x3] =	stream.indirect.gather [hbm4b:s4+s16], $0x80, s5, s16, $0xb8;
	[tilespmem:$0x1DF00] =	vst v63  }
0x26: {  	s6 =	simm.s32 $0x78  }
0x27: {  	[tilespmem:s22], [sflag:$0x4] =	stream.indirect.gather [hbm4b:s4+s16], $0x80, s6, s16, $0xb8;
	[tilespmem:$0x1DF00] =	vst v63  }
0x28: {  	[bflag:$0x0] =	sbarrier.arrive $0xFFFF  }
0x29: {  	_ =	swait.ge [sflag:s23], $0x1400  }
0x2a: {  	p0 =	por $0x1, $0x1;
	[sflag:s23] =	ssyncset.done $0x0  }
0x2b: {  	s19 =	simm.s32 $0x2780;
	s21 =	simm.s32 @p0 $0x2;
	[sflag:s23] =	ssyncadd.s32 $0xFFFFEC00  }
0x2c: {  	[spmem:s2] =	stream.indirect.scatter.add.f32 [tilespmem:s17], [sflag:$0x5], $0x80, s19, s16, $0xb8;
	[tilespmem:$0x1DF00] =	vst v63  }
0x2d: {  	_ =	swait.ge @p0 [sflag:s21], $0x1400  }
0x2e: {  	s29 =	simm.s32 @p0 $0x28;
	[sflag:s21] =	ssyncset.done @p0 $0x0  }
0x2f: {  	s19 =	simm.s32 @p0 $0x27A8;
	[sflag:s21] =	ssyncadd.s32 @p0 $0xFFFFEC00;
	s21 =	simm.s32 @p0 $0x6300  }
0x30: {  	[spmem:s2] =	stream.indirect.scatter.add.f32 @p0 [tilespmem:s21], [sflag:$0x6], $0x80, s19, s29, $0xb8;
	[tilespmem:$0x1DF00] =	vst v63  }
0x31: {  	s19 =	simm.s32 @!p0 $0x7  }
0x32: {  	_ =	swait.ge @!p0 [sflag:s19], $0x1400  }
0x33: {  	s21 =	simm.s32 @!p0 $0x50;
	[sflag:s19] =	ssyncset.done @!p0 $0x0  }
0x34: {  	s29 =	simm.s32 @!p0 $0x28;
	[sflag:s19] =	ssyncadd.s32 @!p0 $0xFFFFEC00;
	s19 =	simm.s32 @!p0 $0x7700  }
0x35: {  	[tilespmem:s19], [sflag:$0x3] =	stream.indirect.gather @!p0 [hbm4b:s4+s29], $0x80, s21, s29, $0xb8;
	[tilespmem:$0x1DF00] =	vst v63  }
0x36: {  	s19 =	simm.s32 @!p0 $0x2  }
0x37: {  	_ =	swait.ge @!p0 [sflag:s19], $0x1400  }
0x38: {  	[sflag:s19] =	ssyncset.done @!p0 $0x0  }
0x39: {  	s21 =	simm.s32 @!p0 $0x27A8;
	[sflag:s19] =	ssyncadd.s32 @!p0 $0xFFFFEC00;
	s19 =	simm.s32 @!p0 $0x6300  }
0x3a: {  	[spmem:s2] =	stream.indirect.scatter.add.f32 @!p0 [tilespmem:s19], [sflag:$0x6], $0x80, s21, s29, $0xb8;
	[tilespmem:$0x1DF00] =	vst v63  }
0x3b: {  	s19 =	simm.s32 @!p0 $0x8  }
0x3c: {  	_ =	swait.ge @!p0 [sflag:s19], $0x1400  }
0x3d: {  	[sflag:s19] =	ssyncset.done @!p0 $0x0  }
0x3e: {  	s21 =	simm.s32 @!p0 $0x78;
	[sflag:s19] =	ssyncadd.s32 @!p0 $0xFFFFEC00;
	s19 =	simm.s32 @!p0 $0x8B00  }
0x3f: {  	[tilespmem:s19], [sflag:$0x4] =	stream.indirect.gather @!p0 [hbm4b:s4+s29], $0x80, s21, s29, $0xb8;
	[tilespmem:$0x1DF00] =	vst v63  }
0x40: {  	_ =	swait.ge [sflag:s24], $0x1400  }
0x41: {  	[sflag:s24] =	ssyncset.done $0x0  }
0x42: {  	s7 =	simm.s32 $0x27D0;
	[sflag:s24] =	ssyncadd.s32 $0xFFFFEC00  }
0x43: {  	[spmem:s2] =	stream.indirect.scatter.add.f32 [tilespmem:s20], [sflag:$0x7], $0x80, s7, s16, $0xb8;
	[tilespmem:$0x1DF00] =	vst v63  }
0x44: {  	_ =	swait.ge [sflag:s25], $0x1400  }
0x45: {  	[sflag:s25] =	ssyncset.done $0x0  }
0x46: {  	s10 =	simm.s32 $0xA0;
	[sflag:s25] =	ssyncadd.s32 $0xFFFFEC00  }
0x47: {  	[tilespmem:s17], [sflag:$0x1] =	stream.indirect.gather [hbm4b:s4+s16], $0x80, s10, s16, $0xb8;
	[tilespmem:$0x1DF00] =	vst v63  }
0x48: {  	_ =	swait.ge [sflag:s26], $0x1400  }
0x49: {  	[sflag:s26] =	ssyncset.done $0x0  }
0x4a: {  	s21 =	simm.s32 $0x27F8;
	[sflag:s26] =	ssyncadd.s32 $0xFFFFEC00  }
0x4b: {  	[spmem:s2] =	stream.indirect.scatter.add.f32 [tilespmem:s22], [sflag:$0x8], $0x80, s21, s16, $0xb8;
	[tilespmem:$0x1DF00] =	vst v63  }
0x4c: {  	s19 =	simm.s32 $0xFFFFFFFE;
	_ =	swait.ge [sflag:s28], $0x1400  }
0x4d: {  	s29 =	simm.s32 $0xC8;
	s21 =	simm.s32 $0x280;
	[sflag:s28] =	ssyncset.done $0x0  }
.LBB2_2:
0x4e: {  	[sflag:s28] =	ssyncadd.s32 $0xFFFFEC00  }
0x4f: {  	s19 =	sadd.s32 $0x4, s19;
	s1 =	smov.u32 s21;
	s21 =	sadd.s32 $0x280, s21  }
0x50: {  	[tilespmem:s18], [sflag:$0x2] =	stream.indirect.gather [hbm4b:s4+s16], $0x80, s29, s16, $0xb8;
	[tilespmem:$0x1DF00] =	vst v63  }
0x51: {  	s29 =	sshra.s32 s1, $0x2;
	p0 =	sne.s32 s21, $0x9B00;
	_ =	swait.ge [sflag:s23], $0x1400  }
0x52: {  	p1 =	sgt.u32 s19, $0xF9;
	s3 =	sadd.s32 $0x2780, s29;
	[sflag:s23] =	ssyncset.done $0x0  }
0x53: {  	s5 =	simm.s32 @p1 $0x2;
	s6 =	sshra.s32 @p1 s1, $0x2;
	[sflag:s23] =	ssyncadd.s32 $0xFFFFEC00  }
0x54: {  	[spmem:s2] =	stream.indirect.scatter.add.f32 [tilespmem:s17], [sflag:$0x5], $0x80, s3, s16, $0xb8;
	[tilespmem:$0x1DF00] =	vst v63  }
0x55: {  	s1 =	sshra.s32 @!p1 s1, $0x2;
	s3 =	sadd.s32 @p1 $0x27A8, s6;
	_ =	swait.ge @p1 [sflag:s5], $0x1400  }
0x56: {  	s7 =	simm.s32 @p1 $0x6300;
	s6 =	simm.s32 @p1 $0x28;
	[sflag:s5] =	ssyncset.done @p1 $0x0  }
0x57: {  	s10 =	sadd.s32 @!p1 $0x50, s1;
	[sflag:s5] =	ssyncadd.s32 @p1 $0xFFFFEC00;
	s5 =	simm.s32 @!p1 $0x7  }
0x58: {  	[spmem:s2] =	stream.indirect.scatter.add.f32 @p1 [tilespmem:s7], [sflag:$0x6], $0x80, s3, s6, $0xb8;
	[tilespmem:$0x1DF00] =	vst v63  }
0x59: {  	s3 =	sadd.s32 @!p1 $0x27A8, s1;
	s1 =	sadd.s32 @!p1 $0x78, s1;
	_ =	swait.ge @!p1 [sflag:s5], $0x1400  }
0x5a: {  	s6 =	simm.s32 @!p1 $0x28;
	s7 =	simm.s32 @!p1 $0x7700;
	[sflag:s5] =	ssyncset.done @!p1 $0x0  }
0x5b: {  	[sflag:s5] =	ssyncadd.s32 @!p1 $0xFFFFEC00;
	s5 =	simm.s32 @!p1 $0x2  }
0x5c: {  	[tilespmem:s7], [sflag:$0x3] =	stream.indirect.gather @!p1 [hbm4b:s4+s6], $0x80, s10, s6, $0xb8;
	[tilespmem:$0x1DF00] =	vst v63  }
0x5d: {  	_ =	swait.ge @!p1 [sflag:s5], $0x1400  }
0x5e: {  	s7 =	simm.s32 @!p1 $0x6300;
	[sflag:s5] =	ssyncset.done @!p1 $0x0  }
0x5f: {  	[sflag:s5] =	ssyncadd.s32 @!p1 $0xFFFFEC00;
	s5 =	simm.s32 @!p1 $0x8  }
0x60: {  	[spmem:s2] =	stream.indirect.scatter.add.f32 @!p1 [tilespmem:s7], [sflag:$0x6], $0x80, s3, s6, $0xb8;
	[tilespmem:$0x1DF00] =	vst v63  }
0x61: {  	_ =	swait.ge @!p1 [sflag:s5], $0x1400  }
0x62: {  	s3 =	simm.s32 @!p1 $0x8B00;
	[sflag:s5] =	ssyncset.done @!p1 $0x0  }
0x63: {  	[sflag:s5] =	ssyncadd.s32 @!p1 $0xFFFFEC00  }
0x64: {  	[tilespmem:s3], [sflag:$0x4] =	stream.indirect.gather @!p1 [hbm4b:s4+s6], $0x80, s1, s6, $0xb8;
	[tilespmem:$0x1DF00] =	vst v63  }
0x65: {  	_ =	swait.ge [sflag:s24], $0x1400  }
0x66: {  	s1 =	sadd.s32 $0x27D0, s29;
	[sflag:s24] =	ssyncset.done $0x0  }
0x67: {  	[sflag:s24] =	ssyncadd.s32 $0xFFFFEC00  }
0x68: {  	[spmem:s2] =	stream.indirect.scatter.add.f32 [tilespmem:s20], [sflag:$0x7], $0x80, s1, s16, $0xb8;
	[tilespmem:$0x1DF00] =	vst v63  }
0x69: {  	_ =	swait.ge [sflag:s25], $0x1400  }
0x6a: {  	s1 =	sadd.s32 $0xA0, s29;
	[sflag:s25] =	ssyncset.done $0x0  }
0x6b: {  	[sflag:s25] =	ssyncadd.s32 $0xFFFFEC00  }
0x6c: {  	[tilespmem:s17], [sflag:$0x1] =	stream.indirect.gather [hbm4b:s4+s16], $0x80, s1, s16, $0xb8;
	[tilespmem:$0x1DF00] =	vst v63  }
0x6d: {  	_ =	swait.ge [sflag:s26], $0x1400  }
.Ltmp0:
0x6e: {  	s1 =	sadd.s32 $0x27F8, s29;
	[sflag:s26] =	ssyncset.done $0x0;
	(pc) =	sbr.rel @p0 .LBB2_2-.Ltmp0, $4  }
0x6f: {  	[sflag:s26] =	ssyncadd.s32 $0xFFFFEC00  }
0x70: {  	[spmem:s2] =	stream.indirect.scatter.add.f32 [tilespmem:s22], [sflag:$0x8], $0x80, s1, s16, $0xb8;
	[tilespmem:$0x1DF00] =	vst v63  }
0x71: {  	_ =	swait.ge [sflag:s28], $0x1400  }
0x72: {  	s29 =	sadd.s32 $0xC8, s29;
	[sflag:s28] =	ssyncset.done $0x0  }
0x73: {  	[sflag:s28] =	ssyncadd.s32 $0xFFFFEC00  }
0x74: {  	[tilespmem:s18], [sflag:$0x2] =	stream.indirect.gather [hbm4b:s4+s16], $0x80, s29, s16, $0xb8;
	[tilespmem:$0x1DF00] =	vst v63  }
0x75: {  	_ =	swait.ge [sflag:s23], $0x1400  }
0x76: {  	[sflag:s23] =	ssyncset.done $0x0  }
0x77: {  	s1 =	simm.s32 $0x4E40;
	[sflag:s23] =	ssyncadd.s32 $0xFFFFEC00  }
0x78: {  	[spmem:s2] =	stream.indirect.scatter.add.f32 [tilespmem:s17], [sflag:$0x5], $0x80, s1, s16, $0xb8;
	[tilespmem:$0x1DF00] =	vst v63  }
0x79: {  	_ =	swait.ge [sflag:s30], $0x1400  }
0x7a: {  	[sflag:s30] =	ssyncset.done $0x0  }
0x7b: {  	[sflag:s30] =	ssyncadd.s32 $0xFFFFEC00  }
0x7c: {  	_ =	swait.ge [sflag:s31], $0x1400  }
0x7d: {  	[sflag:s31] =	ssyncset.done $0x0  }
0x7e: {  	s29 =	simm.s32 $0x4E68;
	[sflag:s31] =	ssyncadd.s32 $0xFFFFEC00  }
0x7f: {  	[spmem:s2] =	stream.indirect.scatter.add.f32 [tilespmem:s18], [sflag:$0x6], $0x80, s29, s16, $0xb8;
	[tilespmem:$0x1DF00] =	vst v63  }
0x80: {  	_ =	swait.ge [sflag:s0], $0x1400  }
0x81: {  	[sflag:s0] =	ssyncset.done $0x0  }
0x82: {  	[sflag:s0] =	ssyncadd.s32 $0xFFFFEC00  }
0x83: {  	_ =	swait.ge [sflag:s25], $0x1400  }
0x84: {  	[sflag:s25] =	ssyncset.done $0x0  }
0x85: {  	[sflag:s25] =	ssyncadd.s32 $0xFFFFEC00  }
0x86: {  	_ =	swait.ge [sflag:s28], $0x1400  }
0x87: {  	s13 =	sadd.s32 $0x1, s13;
	[sflag:s28] =	ssyncset.done $0x0  }
0x88: {  	p0 =	sne.s32 s13, s9;
	[sflag:s28] =	ssyncadd.s32 $0xFFFFEC00  }
.Ltmp1:
0x89: {  	[bflag:$0x0] =	sbarrier.arrive $0xFFFF;
	(pc) =	sbr.rel @p0 .LBB2_1-.Ltmp1, $4  }
0x8a: {  	[hbm:s8], [sflag:s14] =	dma.local [spmem:s15], $0x2800  }
0x8b: {  	_ =	swait.ge [sflag:s12], $0x2800  }
0x8c: {  	[sflag:s12] =	ssyncset.done $0x0  }
0x8d: {  	[sflag:s12] =	ssyncadd.s32 $0xFFFFD800  }
0x8e: {  	_ =	sfence.sel $0x180000  }
0x8f: {  	[bflag:$0x0] =	sbarrier.arrive $0xFFFF  }
0x90: {  	_ =	strace $0x9000004A  }
0x91: {  	s0 =	stileid.u32;
	[bflag:$0x2] =	sbarrier.arrive $0xFFFF  }
0x92: {  	p0 =	sne.s32 s0, $0x0;
	s0 =	rddreg [dreg:$0x2]  }
0x93: {  	s0 =	sadd.s32 @!p0 $0x100000, s0  }
0x94: {  	[sflag:s0] =	ssyncadd.tile.s32 @!p0 $0x1;
	_ =	shalt  }
.Lfunc_end2:
_tile_overlayer_lowered:
.L_overlay_start_2:
0x95: {  	(tag) =	ssettag $0x2  }
0x96: {  	s0 =	rddreg [dreg:$0x0];
	s2 =	stileid.u32  }
0x97: {  	s1 =	rddreg [dreg:$0x1];
	p0 =	sne.s32 s2, $0x0  }
0x98: {  	s3 =	rddreg [dreg:$0x2];
	[bflag:$0x3] =	sbarrier.arrive $0xFFFF;
	s2 =	simm.s32 @!p0 $0x1C09  }
0x99: {  	[timem:s3], [sflag:s2] =	dma.local @!p0 [hbm:s0], s1  }
0x9a: {  	s0 =	simm.s32 @!p0 $0x9  }
0x9b: {  	_ =	swait.ge @!p0 [sflag:s0], s1  }
0x9c: {  	s1 =	ssub.s32 @!p0 $0x0, s1;
	[sflag:s0] =	ssyncset.done @!p0 $0x0  }
0x9d: {  	[sflag:s0] =	ssyncadd.s32 @!p0 s1  }
0x9e: {  	[bflag:$0x3] =	sbarrier.arrive $0xFFFF  }
0x9f: {  	_ =	shalt  }

</sc_bundles>
